<compile_context>
chip_gen: v7x
topology: tpu7x:2x2x1
jax: 0.10.2.dev20260603
libtpu: 0.0.44.dev20260713+nightly
codegen_flags: <defaults>
</compile_context>

<pallas_src>
import jax
import jax.numpy as jnp
from jax import lax
from jax.experimental import pallas as pl
from jax.experimental.pallas import tpu as pltpu

_CONF_THR = 0.5
_NMS_THR = 0.45
_NP = 5120
_T = 512
_NB = _NP // _T

_FX, _FY, _FW, _FH, _FOBJ, _FCCF, _FCID, _FVAL = range(8)


def _prep_kernel(pred_ref, out_ref):
    p = pred_ref[...]
    n = p.shape[0]
    obj = jax.nn.sigmoid(p[:, 4:5])
    cls_sig = jax.nn.sigmoid(p[:, 5:85])
    ccf = jnp.max(cls_sig, axis=-1, keepdims=True)
    lane = lax.broadcasted_iota(jnp.int32, cls_sig.shape, 1)
    cid = jnp.min(jnp.where(cls_sig == ccf, lane, jnp.int32(2**30)),
                  axis=-1, keepdims=True).astype(jnp.float32)
    val = (obj >= _CONF_THR).astype(jnp.float32)
    out_ref[0:n, :] = jnp.concatenate(
        [p[:, 0:1], p[:, 1:2], p[:, 2:3], p[:, 3:4], obj, ccf, cid, val],
        axis=1,
    )
    out_ref[n:_NP, :] = jnp.zeros((_NP - n, 8), jnp.float32)


def _nms_kernel(featT_ref, out_ref, feat_ref, keep_ref, supp_ref):

    for t in range(_NB):
        feat_ref[:, t * _T:(t + 1) * _T] = jnp.transpose(
            featT_ref[t * _T:(t + 1) * _T, :], (1, 0))

    keep_ref[...] = jnp.zeros((1, _NP), jnp.float32)
    supp_ref[...] = jnp.zeros((1, _NP), jnp.float32)

    nvalid = jnp.sum(feat_ref[_FVAL:_FVAL + 1, :]).astype(jnp.int32)
    nbv = (nvalid + (_T - 1)) // _T

    rowi = lax.broadcasted_iota(jnp.int32, (_T, _T), 0)
    coli = lax.broadcasted_iota(jnp.int32, (_T, _T), 1)
    tri = rowi < coli

    def cols(ilo):
        f = feat_ref[:, pl.ds(pl.multiple_of(ilo, _T), _T)]
        x, y, w, h = f[_FX:_FX + 1], f[_FY:_FY + 1], f[_FW:_FW + 1], f[_FH:_FH + 1]
        x1 = x - w / 2.0
        y1 = y - h / 2.0
        x2 = x + w / 2.0
        y2 = y + h / 2.0
        return x1, y1, x2, y2, f[_FCID:_FCID + 1], f[_FVAL:_FVAL + 1]

    def rows(jlo):
        g = featT_ref[pl.ds(pl.multiple_of(jlo, _T), _T), :]
        x, y, w, h = g[:, _FX:_FX + 1], g[:, _FY:_FY + 1], g[:, _FW:_FW + 1], g[:, _FH:_FH + 1]
        x1 = x - w / 2.0
        y1 = y - h / 2.0
        x2 = x + w / 2.0
        y2 = y + h / 2.0
        return x1, y1, x2, y2, g[:, _FCID:_FCID + 1]

    def suppress_mask(J, I):
        x1j, y1j, x2j, y2j, cj = J
        x1i, y1i, x2i, y2i, ci, _ = I
        xx1 = jnp.maximum(x1j, x1i)
        yy1 = jnp.maximum(y1j, y1i)
        xx2 = jnp.minimum(x2j, x2i)
        yy2 = jnp.minimum(y2j, y2i)
        inter = jnp.clip(xx2 - xx1, 0.0) * jnp.clip(yy2 - yy1, 0.0)
        aj = jnp.clip(x2j - x1j, 0.0) * jnp.clip(y2j - y1j, 0.0)
        ai = jnp.clip(x2i - x1i, 0.0) * jnp.clip(y2i - y1i, 0.0)
        iou = inter / (aj + ai - inter + 1e-9)
        return (iou > _NMS_THR) & (cj == ci)

    def outer(kb, carry):
        jlo = kb * _T
        J = rows(jlo)
        I = cols(jlo)
        s_intra = (suppress_mask(J, I) & tri).astype(jnp.float32)
        sl = supp_ref[0:1, pl.ds(pl.multiple_of(jlo, _T), _T)]
        base = I[5] * (1.0 - sl)

        def wcond(c):
            return c[1]

        def wbody(c):
            k, _ = c
            hit = jnp.dot(jnp.broadcast_to(k, (8, _T)), s_intra,
                          preferred_element_type=jnp.float32)[0:1]
            new = base * (1.0 - (hit > 0.0).astype(jnp.float32))
            return new, jnp.any(new != k)

        kfin, _ = lax.while_loop(wcond, wbody, (base, jnp.bool_(True)))
        keep_ref[0:1, pl.ds(pl.multiple_of(jlo, _T), _T)] = kfin
        k8 = jnp.broadcast_to(kfin, (8, _T))

        def inner(c, c2):
            ilo = c * _T
            I2 = cols(ilo)
            s_cross = suppress_mask(J, I2).astype(jnp.float32)
            hit = jnp.dot(k8, s_cross,
                          preferred_element_type=jnp.float32)[0:1]
            cur = supp_ref[0:1, pl.ds(pl.multiple_of(ilo, _T), _T)]
            supp_ref[0:1, pl.ds(pl.multiple_of(ilo, _T), _T)] = jnp.maximum(
                cur, (hit > 0.0).astype(jnp.float32))
            return c2

        lax.fori_loop(kb + 1, nbv, inner, 0)
        return carry

    lax.fori_loop(0, nbv, outer, 0)

    kp = keep_ref[...]
    f = feat_ref[...]
    x, y, w, h = f[_FX:_FX + 1], f[_FY:_FY + 1], f[_FW:_FW + 1], f[_FH:_FH + 1]
    det8 = jnp.concatenate(
        [
            (x - w / 2.0) * kp,
            (y - h / 2.0) * kp,
            (x + w / 2.0) * kp,
            (y + h / 2.0) * kp,
            f[_FOBJ:_FOBJ + 1] * kp,
            f[_FCCF:_FCCF + 1] * kp,
            f[_FCID:_FCID + 1] * kp,
            jnp.zeros((1, _NP), jnp.float32),
        ],
        axis=0,
    )
    for t in range(_NB):
        out_ref[t * _T:(t + 1) * _T, :] = jnp.transpose(
            det8[:, t * _T:(t + 1) * _T], (1, 0))


def kernel(predictions):
    B, N, C = predictions.shape

    feat = pl.pallas_call(
        _prep_kernel,
        grid=(B,),
        in_specs=[pl.BlockSpec((None, N, C), lambda b: (b, 0, 0))],
        out_specs=pl.BlockSpec((None, _NP, 8), lambda b: (b, 0, 0)),
        out_shape=jax.ShapeDtypeStruct((B, _NP, 8), jnp.float32),
        compiler_params=pltpu.CompilerParams(
            dimension_semantics=("arbitrary",),
        ),
    )(predictions)

    key = -jnp.where(feat[:, :N, _FVAL] > 0.0, feat[:, :N, _FOBJ], -jnp.inf)
    order = jnp.argsort(key, axis=-1)
    order_pad = jnp.concatenate(
        [order, jnp.broadcast_to(jnp.arange(N, _NP, dtype=order.dtype)[None],
                                 (B, _NP - N))], axis=-1)
    featT = jnp.take_along_axis(feat, order_pad[..., None], axis=1)

    dets = pl.pallas_call(
        _nms_kernel,
        grid=(B,),
        in_specs=[pl.BlockSpec((None, _NP, 8), lambda b: (b, 0, 0))],
        out_specs=pl.BlockSpec((None, _NP, 8), lambda b: (b, 0, 0)),
        out_shape=jax.ShapeDtypeStruct((B, _NP, 8), jnp.float32),
        scratch_shapes=[
            pltpu.VMEM((8, _NP), jnp.float32),
            pltpu.VMEM((1, _NP), jnp.float32),
            pltpu.VMEM((1, _NP), jnp.float32),
        ],
        compiler_params=pltpu.CompilerParams(
            dimension_semantics=("arbitrary",),
        ),
    )(featT)

    inv_order = jnp.argsort(order, axis=-1)
    return jnp.take_along_axis(dets, inv_order[..., None], axis=1)[..., :7]

# --- scband reference (transcript-rebuilt; emitter-appended) ---
"""Pipeline reference for scband-yolo-predict-layer-43731357007999 (READ-ONLY COPY).

The authoritative reference and input builder live on the scoring server;
editing this copy changes nothing except your own understanding.
"""

import jax, jax.numpy as jnp
import numpy as np
from jax import lax

CONF_THRESOLD = 0.5
NMS_THRESOLD = 0.45


def setup_inputs(seed: int = 0) -> dict:
    key = jax.random.key(seed)
    predictions = jax.random.normal(key, (8, 5000, 85), dtype=jnp.float32)
    return {"predictions": predictions}


def _xywh2xyxy(b):
    x, y, w, h = b[..., 0], b[..., 1], b[..., 2], b[..., 3]
    return jnp.stack([x - w / 2.0, y - h / 2.0, x + w / 2.0, y + h / 2.0], axis=-1)


def _iou_one_vs_all(box, boxes):
    x1 = jnp.maximum(box[0], boxes[:, 0])
    y1 = jnp.maximum(box[1], boxes[:, 1])
    x2 = jnp.minimum(box[2], boxes[:, 2])
    y2 = jnp.minimum(box[3], boxes[:, 3])
    inter = jnp.clip(x2 - x1, 0.0) * jnp.clip(y2 - y1, 0.0)
    a1 = jnp.clip(box[2] - box[0], 0.0) * jnp.clip(box[3] - box[1], 0.0)
    a2 = jnp.clip(boxes[:, 2] - boxes[:, 0], 0.0) * jnp.clip(boxes[:, 3] - boxes[:, 1], 0.0)
    return inter / (a1 + a2 - inter + 1e-9)


def _nms_keep(boxes, scores, cls_ids, valid, iou_thr):
    # greedy class-aware NMS with fixed-shape keep mask
    N = boxes.shape[0]
    order = jnp.argsort(-jnp.where(valid, scores, -jnp.inf))
    b = boxes[order]
    c = cls_ids[order]
    v = valid[order]
    idxs = jnp.arange(N)

    def body(i, keep):
        cur = keep[i]
        ious = _iou_one_vs_all(b[i], b)
        suppress = cur & (ious > iou_thr) & (c == c[i]) & (idxs > i)
        return keep & (~suppress)

    keep_sorted = lax.fori_loop(0, N, body, v)
    return jnp.zeros(N, dtype=bool).at[order].set(keep_sorted)


def reference(predictions):
    # predictions: [B, N, 4 + 1 + num_classes]
    boxes = _xywh2xyxy(predictions[..., :4])
    confs = jax.nn.sigmoid(predictions[..., 4:])
    obj = confs[..., 0]
    cls_conf = jnp.max(confs[..., 1:], axis=-1)
    cls_id = jnp.argmax(confs[..., 1:], axis=-1)
    valid = obj >= CONF_THRESOLD

    keep = jax.vmap(
        lambda bb, ss, cc, vv: _nms_keep(bb, ss, cc, vv, NMS_THRESOLD)
    )(lax.stop_gradient(boxes), lax.stop_gradient(obj), cls_id, valid)

    det = jnp.concatenate(
        [
            boxes,
            obj[..., None],
            cls_conf[..., None],
            lax.stop_gradient(cls_id).astype(jnp.float32)[..., None],
        ],
        axis=-1,
    )
    # fixed-shape output: suppressed / low-confidence rows zeroed out
    return det * keep[..., None].astype(det.dtype)

if __name__ == "__main__":
    import jax
    _d = setup_inputs()
    print(jax.jit(kernel)(*tuple(_d.values())))

</pallas_src>

<mosaic_0001>
module attributes {stable_mosaic.version = 14 : i64} {
  func.func @_prep_kernel(%arg0: i32, %arg1: memref<1x5000x85xf32, #tpu.memory_space<vmem>>, %arg2: memref<1x5120x8xf32, #tpu.memory_space<vmem>>) attributes {dimension_semantics = [#tpu.dimension_semantics<arbitrary>], iteration_bounds = array<i64: 8>, scalar_prefetch = 0 : i64, scratch_operands = 0 : i64, tpu.core_type = #tpu.core_type<tc>, window_params = [{transform_indices = @transform_0, window_bounds = array<i64: 1, 5000, 85>}, {transform_indices = @transform_1, window_bounds = array<i64: 1, 5120, 8>}]} {
    %get3A = arith.constant 0 : index
    %get3A_0 = arith.constant 0 : index
    %get3A_1 = arith.constant 0 : index
    %get3A_2 = vector.load %arg1[%get3A, %get3A_0, %get3A_1] : memref<1x5000x85xf32, #tpu.memory_space<vmem>>, vector<1x5000x85xf32>
    %get3A_3 = vector.shape_cast %get3A_2 : vector<1x5000x85xf32> to vector<5000x85xf32>
    %slice3A = vector.extract_strided_slice %get3A_3 {offsets = [0, 4], sizes = [5000, 1], strides = [1, 1]} : vector<5000x85xf32> to vector<5000x1xf32>
    %logistic3A = arith.negf %slice3A : vector<5000x1xf32>
    %logistic3A_4 = math.exp %logistic3A : vector<5000x1xf32>
    %logistic3A_5 = arith.constant 1.000000e+00 : f32
    %logistic3A_6 = vector.broadcast %logistic3A_5 : f32 to vector<5000x1xf32>
    %logistic3A_7 = arith.addf %logistic3A_6, %logistic3A_4 : vector<5000x1xf32>
    %logistic3A_8 = arith.divf %logistic3A_6, %logistic3A_7 : vector<5000x1xf32>
    %slice3A_9 = vector.extract_strided_slice %get3A_3 {offsets = [0, 5], sizes = [5000, 80], strides = [1, 1]} : vector<5000x85xf32> to vector<5000x80xf32>
    %logistic3A_10 = arith.negf %slice3A_9 : vector<5000x80xf32>
    %logistic3A_11 = math.exp %logistic3A_10 : vector<5000x80xf32>
    %logistic3A_12 = arith.constant 1.000000e+00 : f32
    %logistic3A_13 = vector.broadcast %logistic3A_12 : f32 to vector<5000x80xf32>
    %logistic3A_14 = arith.addf %logistic3A_13, %logistic3A_11 : vector<5000x80xf32>
    %logistic3A_15 = arith.divf %logistic3A_13, %logistic3A_14 : vector<5000x80xf32>
    %reduce_max3A = arith.constant dense<0xFF800000> : vector<5000xf32>
    %reduce_max3A_16 = vector.multi_reduction <maximumf>, %logistic3A_15, %reduce_max3A [1] : vector<5000x80xf32> to vector<5000xf32>
    %broadcast_in_dim3A = vector.shape_cast %reduce_max3A_16 : vector<5000xf32> to vector<5000x1xf32>
    %iota3A = tpu.iota {dimensions = array<i32: 1>} : vector<5000x80xi32>
    %eq3A = vector.broadcast %broadcast_in_dim3A : vector<5000x1xf32> to vector<5000x80xf32>
    %eq3A_17 = arith.cmpf oeq, %logistic3A_15, %eq3A : vector<5000x80xf32>
    %jit3A = arith.constant 1073741824 : i32
    %broadcast_in_dim3A_18 = vector.broadcast %jit3A : i32 to vector<5000x80xi32>
    %select_n3A = arith.select %eq3A_17, %iota3A, %broadcast_in_dim3A_18 : vector<5000x80xi1>, vector<5000x80xi32>
    %reduce_min3A = arith.constant dense<2147483647> : vector<5000xi32>
    %reduce_min3A_19 = vector.multi_reduction <minsi>, %select_n3A, %reduce_min3A [1] : vector<5000x80xi32> to vector<5000xi32>
    %broadcast_in_dim3A_20 = vector.shape_cast %reduce_min3A_19 : vector<5000xi32> to vector<5000x1xi32>
    %convert_element_type3A = arith.sitofp %broadcast_in_dim3A_20 : vector<5000x1xi32> to vector<5000x1xf32>
    %ge3A = arith.constant 5.000000e-01 : f32
    %ge3A_21 = vector.broadcast %ge3A : f32 to vector<5000x1xf32>
    %ge3A_22 = arith.cmpf oge, %logistic3A_8, %ge3A_21 : vector<5000x1xf32>
    %convert_element_type3A_23 = arith.extui %ge3A_22 : vector<5000x1xi1> to vector<5000x1xi32>
    %convert_element_type3A_24 = arith.sitofp %convert_element_type3A_23 : vector<5000x1xi32> to vector<5000x1xf32>
    %slice3A_25 = vector.extract_strided_slice %get3A_3 {offsets = [0, 0], sizes = [5000, 1], strides = [1, 1]} : vector<5000x85xf32> to vector<5000x1xf32>
    %slice3A_26 = vector.extract_strided_slice %get3A_3 {offsets = [0, 1], sizes = [5000, 1], strides = [1, 1]} : vector<5000x85xf32> to vector<5000x1xf32>
    %slice3A_27 = vector.extract_strided_slice %get3A_3 {offsets = [0, 2], sizes = [5000, 1], strides = [1, 1]} : vector<5000x85xf32> to vector<5000x1xf32>
    %slice3A_28 = vector.extract_strided_slice %get3A_3 {offsets = [0, 3], sizes = [5000, 1], strides = [1, 1]} : vector<5000x85xf32> to vector<5000x1xf32>
    %concatenate3A = tpu.concatenate %slice3A_25, %slice3A_26, %slice3A_27, %slice3A_28, %logistic3A_8, %broadcast_in_dim3A, %convert_element_type3A, %convert_element_type3A_24 in 1 : vector<5000x1xf32>, vector<5000x1xf32>, vector<5000x1xf32>, vector<5000x1xf32>, vector<5000x1xf32>, vector<5000x1xf32>, vector<5000x1xf32>, vector<5000x1xf32> -> vector<5000x8xf32>
    %swap3A = arith.constant 0 : index
    %swap3A_29 = arith.constant 0 : index
    %swap3A_30 = arith.constant 0 : index
    %swap3A_31 = vector.load %arg2[%swap3A, %swap3A_29, %swap3A_30] : memref<1x5120x8xf32, #tpu.memory_space<vmem>>, vector<1x5000x8xf32>
    %swap3A_32 = vector.shape_cast %swap3A_31 : vector<1x5000x8xf32> to vector<5000x8xf32>
    %swap3A_33 = vector.shape_cast %concatenate3A : vector<5000x8xf32> to vector<1x5000x8xf32>
    tpu.vector_store %arg2[%swap3A, %swap3A_29, %swap3A_30], %swap3A_33 {strides = array<i32>} : memref<1x5120x8xf32, #tpu.memory_space<vmem>>, vector<1x5000x8xf32>,
    %broadcast_in_dim3A_34 = arith.constant 0.000000e+00 : f32
    %broadcast_in_dim3A_35 = vector.broadcast %broadcast_in_dim3A_34 : f32 to vector<120x8xf32>
    %swap3A_36 = arith.constant 0 : index
    %swap3A_37 = arith.constant 5000 : index
    %swap3A_38 = arith.constant 0 : index
    %swap3A_39 = vector.load %arg2[%swap3A_36, %swap3A_37, %swap3A_38] : memref<1x5120x8xf32, #tpu.memory_space<vmem>>, vector<1x120x8xf32>
    %swap3A_40 = vector.shape_cast %swap3A_39 : vector<1x120x8xf32> to vector<120x8xf32>
    %swap3A_41 = vector.shape_cast %broadcast_in_dim3A_35 : vector<120x8xf32> to vector<1x120x8xf32>
    tpu.vector_store %arg2[%swap3A_36, %swap3A_37, %swap3A_38], %swap3A_41 {strides = array<i32>} : memref<1x5120x8xf32, #tpu.memory_space<vmem>>, vector<1x120x8xf32>,
    return
  }
  func.func @transform_0(%arg0: i32) -> (i32, i32, i32) {
    %c0_i32 = arith.constant 0 : i32
    %c0_i32_0 = arith.constant 0 : i32
    %c0_i32_1 = arith.constant 0 : i32
    return %arg0, %c0_i32, %c0_i32_0 : i32, i32, i32
  }
  func.func @transform_1(%arg0: i32) -> (i32, i32, i32) {
    %c0_i32 = arith.constant 0 : i32
    %c0_i32_0 = arith.constant 0 : i32
    %c0_i32_1 = arith.constant 0 : i32
    return %arg0, %c0_i32, %c0_i32_0 : i32, i32, i32
  }
}

module attributes {stable_mosaic.version = 14 : i64} {
  func.func @_nms_kernel(%arg0: i32, %arg1: memref<1x5120x8xf32, #tpu.memory_space<vmem>>, %arg2: memref<1x5120x8xf32, #tpu.memory_space<vmem>>, %arg3: memref<8x5120xf32, #tpu.memory_space<vmem>>, %arg4: memref<1x5120xf32, #tpu.memory_space<vmem>>, %arg5: memref<1x5120xf32, #tpu.memory_space<vmem>>) attributes {dimension_semantics = [#tpu.dimension_semantics<arbitrary>], iteration_bounds = array<i64: 8>, scalar_prefetch = 0 : i64, scratch_operands = 3 : i64, tpu.core_type = #tpu.core_type<tc>, window_params = [{transform_indices = @transform_0, window_bounds = array<i64: 1, 5120, 8>}, {transform_indices = @transform_1, window_bounds = array<i64: 1, 5120, 8>}]} {
    %get3A = arith.constant 0 : index
    %get3A_0 = arith.constant 0 : index
    %get3A_1 = arith.constant 0 : index
    %get3A_2 = vector.load %arg1[%get3A, %get3A_0, %get3A_1] : memref<1x5120x8xf32, #tpu.memory_space<vmem>>, vector<1x512x8xf32>
    %get3A_3 = vector.shape_cast %get3A_2 : vector<1x512x8xf32> to vector<512x8xf32>
    %transpose3A = tpu.transpose %get3A_3, [1, 0] : vector<512x8xf32> -> vector<8x512xf32>
    %swap3A = arith.constant 0 : index
    %swap3A_4 = arith.constant 0 : index
    %swap3A_5 = vector.load %arg3[%swap3A, %swap3A_4] : memref<8x5120xf32, #tpu.memory_space<vmem>>, vector<8x512xf32>
    tpu.vector_store %arg3[%swap3A, %swap3A_4], %transpose3A {strides = array<i32>} : memref<8x5120xf32, #tpu.memory_space<vmem>>, vector<8x512xf32>,
    %get3A_6 = arith.constant 0 : index
    %get3A_7 = arith.constant 512 : index
    %get3A_8 = arith.constant 0 : index
    %get3A_9 = vector.load %arg1[%get3A_6, %get3A_7, %get3A_8] : memref<1x5120x8xf32, #tpu.memory_space<vmem>>, vector<1x512x8xf32>
    %get3A_10 = vector.shape_cast %get3A_9 : vector<1x512x8xf32> to vector<512x8xf32>
    %transpose3A_11 = tpu.transpose %get3A_10, [1, 0] : vector<512x8xf32> -> vector<8x512xf32>
    %swap3A_12 = arith.constant 0 : index
    %swap3A_13 = arith.constant 512 : index
    %swap3A_14 = vector.load %arg3[%swap3A_12, %swap3A_13] : memref<8x5120xf32, #tpu.memory_space<vmem>>, vector<8x512xf32>
    tpu.vector_store %arg3[%swap3A_12, %swap3A_13], %transpose3A_11 {strides = array<i32>} : memref<8x5120xf32, #tpu.memory_space<vmem>>, vector<8x512xf32>,
    %get3A_15 = arith.constant 0 : index
    %get3A_16 = arith.constant 1024 : index
    %get3A_17 = arith.constant 0 : index
    %get3A_18 = vector.load %arg1[%get3A_15, %get3A_16, %get3A_17] : memref<1x5120x8xf32, #tpu.memory_space<vmem>>, vector<1x512x8xf32>
    %get3A_19 = vector.shape_cast %get3A_18 : vector<1x512x8xf32> to vector<512x8xf32>
    %transpose3A_20 = tpu.transpose %get3A_19, [1, 0] : vector<512x8xf32> -> vector<8x512xf32>
    %swap3A_21 = arith.constant 0 : index
    %swap3A_22 = arith.constant 1024 : index
    %swap3A_23 = vector.load %arg3[%swap3A_21, %swap3A_22] : memref<8x5120xf32, #tpu.memory_space<vmem>>, vector<8x512xf32>
    tpu.vector_store %arg3[%swap3A_21, %swap3A_22], %transpose3A_20 {strides = array<i32>} : memref<8x5120xf32, #tpu.memory_space<vmem>>, vector<8x512xf32>,
    %get3A_24 = arith.constant 0 : index
    %get3A_25 = arith.constant 1536 : index
    %get3A_26 = arith.constant 0 : index
    %get3A_27 = vector.load %arg1[%get3A_24, %get3A_25, %get3A_26] : memref<1x5120x8xf32, #tpu.memory_space<vmem>>, vector<1x512x8xf32>
    %get3A_28 = vector.shape_cast %get3A_27 : vector<1x512x8xf32> to vector<512x8xf32>
    %transpose3A_29 = tpu.transpose %get3A_28, [1, 0] : vector<512x8xf32> -> vector<8x512xf32>
    %swap3A_30 = arith.constant 0 : index
    %swap3A_31 = arith.constant 1536 : index
    %swap3A_32 = vector.load %arg3[%swap3A_30, %swap3A_31] : memref<8x5120xf32, #tpu.memory_space<vmem>>, vector<8x512xf32>
    tpu.vector_store %arg3[%swap3A_30, %swap3A_31], %transpose3A_29 {strides = array<i32>} : memref<8x5120xf32, #tpu.memory_space<vmem>>, vector<8x512xf32>,
    %get3A_33 = arith.constant 0 : index
    %get3A_34 = arith.constant 2048 : index
    %get3A_35 = arith.constant 0 : index
    %get3A_36 = vector.load %arg1[%get3A_33, %get3A_34, %get3A_35] : memref<1x5120x8xf32, #tpu.memory_space<vmem>>, vector<1x512x8xf32>
    %get3A_37 = vector.shape_cast %get3A_36 : vector<1x512x8xf32> to vector<512x8xf32>
    %transpose3A_38 = tpu.transpose %get3A_37, [1, 0] : vector<512x8xf32> -> vector<8x512xf32>
    %swap3A_39 = arith.constant 0 : index
    %swap3A_40 = arith.constant 2048 : index
    %swap3A_41 = vector.load %arg3[%swap3A_39, %swap3A_40] : memref<8x5120xf32, #tpu.memory_space<vmem>>, vector<8x512xf32>
    tpu.vector_store %arg3[%swap3A_39, %swap3A_40], %transpose3A_38 {strides = array<i32>} : memref<8x5120xf32, #tpu.memory_space<vmem>>, vector<8x512xf32>,
    %get3A_42 = arith.constant 0 : index
    %get3A_43 = arith.constant 2560 : index
    %get3A_44 = arith.constant 0 : index
    %get3A_45 = vector.load %arg1[%get3A_42, %get3A_43, %get3A_44] : memref<1x5120x8xf32, #tpu.memory_space<vmem>>, vector<1x512x8xf32>
    %get3A_46 = vector.shape_cast %get3A_45 : vector<1x512x8xf32> to vector<512x8xf32>
    %transpose3A_47 = tpu.transpose %get3A_46, [1, 0] : vector<512x8xf32> -> vector<8x512xf32>
    %swap3A_48 = arith.constant 0 : index
    %swap3A_49 = arith.constant 2560 : index
    %swap3A_50 = vector.load %arg3[%swap3A_48, %swap3A_49] : memref<8x5120xf32, #tpu.memory_space<vmem>>, vector<8x512xf32>
    tpu.vector_store %arg3[%swap3A_48, %swap3A_49], %transpose3A_47 {strides = array<i32>} : memref<8x5120xf32, #tpu.memory_space<vmem>>, vector<8x512xf32>,
    %get3A_51 = arith.constant 0 : index
    %get3A_52 = arith.constant 3072 : index
    %get3A_53 = arith.constant 0 : index
    %get3A_54 = vector.load %arg1[%get3A_51, %get3A_52, %get3A_53] : memref<1x5120x8xf32, #tpu.memory_space<vmem>>, vector<1x512x8xf32>
    %get3A_55 = vector.shape_cast %get3A_54 : vector<1x512x8xf32> to vector<512x8xf32>
    %transpose3A_56 = tpu.transpose %get3A_55, [1, 0] : vector<512x8xf32> -> vector<8x512xf32>
    %swap3A_57 = arith.constant 0 : index
    %swap3A_58 = arith.constant 3072 : index
    %swap3A_59 = vector.load %arg3[%swap3A_57, %swap3A_58] : memref<8x5120xf32, #tpu.memory_space<vmem>>, vector<8x512xf32>
    tpu.vector_store %arg3[%swap3A_57, %swap3A_58], %transpose3A_56 {strides = array<i32>} : memref<8x5120xf32, #tpu.memory_space<vmem>>, vector<8x512xf32>,
    %get3A_60 = arith.constant 0 : index
    %get3A_61 = arith.constant 3584 : index
    %get3A_62 = arith.constant 0 : index
    %get3A_63 = vector.load %arg1[%get3A_60, %get3A_61, %get3A_62] : memref<1x5120x8xf32, #tpu.memory_space<vmem>>, vector<1x512x8xf32>
    %get3A_64 = vector.shape_cast %get3A_63 : vector<1x512x8xf32> to vector<512x8xf32>
    %transpose3A_65 = tpu.transpose %get3A_64, [1, 0] : vector<512x8xf32> -> vector<8x512xf32>
    %swap3A_66 = arith.constant 0 : index
    %swap3A_67 = arith.constant 3584 : index
    %swap3A_68 = vector.load %arg3[%swap3A_66, %swap3A_67] : memref<8x5120xf32, #tpu.memory_space<vmem>>, vector<8x512xf32>
    tpu.vector_store %arg3[%swap3A_66, %swap3A_67], %transpose3A_65 {strides = array<i32>} : memref<8x5120xf32, #tpu.memory_space<vmem>>, vector<8x512xf32>,
    %get3A_69 = arith.constant 0 : index
    %get3A_70 = arith.constant 4096 : index
    %get3A_71 = arith.constant 0 : index
    %get3A_72 = vector.load %arg1[%get3A_69, %get3A_70, %get3A_71] : memref<1x5120x8xf32, #tpu.memory_space<vmem>>, vector<1x512x8xf32>
    %get3A_73 = vector.shape_cast %get3A_72 : vector<1x512x8xf32> to vector<512x8xf32>
    %transpose3A_74 = tpu.transpose %get3A_73, [1, 0] : vector<512x8xf32> -> vector<8x512xf32>
    %swap3A_75 = arith.constant 0 : index
    %swap3A_76 = arith.constant 4096 : index
    %swap3A_77 = vector.load %arg3[%swap3A_75, %swap3A_76] : memref<8x5120xf32, #tpu.memory_space<vmem>>, vector<8x512xf32>
    tpu.vector_store %arg3[%swap3A_75, %swap3A_76], %transpose3A_74 {strides = array<i32>} : memref<8x5120xf32, #tpu.memory_space<vmem>>, vector<8x512xf32>,
    %get3A_78 = arith.constant 0 : index
    %get3A_79 = arith.constant 4608 : index
    %get3A_80 = arith.constant 0 : index
    %get3A_81 = vector.load %arg1[%get3A_78, %get3A_79, %get3A_80] : memref<1x5120x8xf32, #tpu.memory_space<vmem>>, vector<1x512x8xf32>
    %get3A_82 = vector.shape_cast %get3A_81 : vector<1x512x8xf32> to vector<512x8xf32>
    %transpose3A_83 = tpu.transpose %get3A_82, [1, 0] : vector<512x8xf32> -> vector<8x512xf32>
    %swap3A_84 = arith.constant 0 : index
    %swap3A_85 = arith.constant 4608 : index
    %swap3A_86 = vector.load %arg3[%swap3A_84, %swap3A_85] : memref<8x5120xf32, #tpu.memory_space<vmem>>, vector<8x512xf32>
    tpu.vector_store %arg3[%swap3A_84, %swap3A_85], %transpose3A_83 {strides = array<i32>} : memref<8x5120xf32, #tpu.memory_space<vmem>>, vector<8x512xf32>,
    %broadcast_in_dim3A = arith.constant 0.000000e+00 : f32
    %broadcast_in_dim3A_87 = vector.broadcast %broadcast_in_dim3A : f32 to vector<1x5120xf32>
    %swap3A_88 = arith.constant 0 : index
    %swap3A_89 = arith.constant 0 : index
    %swap3A_90 = vector.load %arg4[%swap3A_88, %swap3A_89] : memref<1x5120xf32, #tpu.memory_space<vmem>>, vector<1x5120xf32>
    tpu.vector_store %arg4[%swap3A_88, %swap3A_89], %broadcast_in_dim3A_87 {strides = array<i32>} : memref<1x5120xf32, #tpu.memory_space<vmem>>, vector<1x5120xf32>,
    %broadcast_in_dim3A_91 = arith.constant 0.000000e+00 : f32
    %broadcast_in_dim3A_92 = vector.broadcast %broadcast_in_dim3A_91 : f32 to vector<1x5120xf32>
    %swap3A_93 = arith.constant 0 : index
    %swap3A_94 = arith.constant 0 : index
    %swap3A_95 = vector.load %arg5[%swap3A_93, %swap3A_94] : memref<1x5120xf32, #tpu.memory_space<vmem>>, vector<1x5120xf32>
    tpu.vector_store %arg5[%swap3A_93, %swap3A_94], %broadcast_in_dim3A_92 {strides = array<i32>} : memref<1x5120xf32, #tpu.memory_space<vmem>>, vector<1x5120xf32>,
    %get3A_96 = arith.constant 7 : index
    %get3A_97 = arith.constant 0 : index
    %get3A_98 = vector.load %arg3[%get3A_96, %get3A_97] : memref<8x5120xf32, #tpu.memory_space<vmem>>, vector<1x5120xf32>
    %reduce_sum3A = vector.shape_cast %get3A_98 : vector<1x5120xf32> to vector<1x1x5120xf32>
    %reduce_sum3A_99 = arith.constant dense<0.000000e+00> : vector<1xf32>
    %reduce_sum3A_100 = vector.multi_reduction <add>, %reduce_sum3A, %reduce_sum3A_99 [1, 2] : vector<1x1x5120xf32> to vector<1xf32>
    %reduce_sum3A_101 = vector.shape_cast %reduce_sum3A_100 : vector<1xf32> to vector<1x1x1xf32>
    %reduce_sum3A_102 = vector.extract %reduce_sum3A_101[0, 0, 0] : f32 from vector<1x1x1xf32>
    %convert_element_type3A = arith.fptosi %reduce_sum3A_102 : f32 to i32
    %add3A = arith.constant 511 : i32
    %add3A_103 = arith.addi %convert_element_type3A, %add3A : i32
    %jit3A = arith.constant 512 : i32
    %div3A = arith.divsi %add3A_103, %jit3A : i32
    %sign3A = arith.constant 0 : i32
    %sign3A_104 = arith.cmpi sgt, %add3A_103, %sign3A : i32
    %sign3A_105 = arith.extui %sign3A_104 : i1 to i32
    %sign3A_106 = arith.constant 0 : i32
    %sign3A_107 = arith.cmpi slt, %add3A_103, %sign3A_106 : i32
    %sign3A_108 = arith.extui %sign3A_107 : i1 to i32
    %sign3A_109 = arith.subi %sign3A_105, %sign3A_108 : i32
    %sign3A_110 = arith.constant 0 : i32
    %sign3A_111 = arith.cmpi sgt, %jit3A, %sign3A_110 : i32
    %sign3A_112 = arith.extui %sign3A_111 : i1 to i32
    %sign3A_113 = arith.constant 0 : i32
    %sign3A_114 = arith.cmpi slt, %jit3A, %sign3A_113 : i32
    %sign3A_115 = arith.extui %sign3A_114 : i1 to i32
    %sign3A_116 = arith.subi %sign3A_112, %sign3A_115 : i32
    %ne3A = arith.cmpi ne, %sign3A_109, %sign3A_116 : i32
    %rem3A = arith.remsi %add3A_103, %jit3A : i32
    %ne3A_117 = arith.constant 0 : i32
    %ne3A_118 = arith.cmpi ne, %rem3A, %ne3A_117 : i32
    %and3A = arith.andi %ne3A, %ne3A_118 : i1
    %sub3A = arith.constant 1 : i32
    %sub3A_119 = arith.subi %div3A, %sub3A : i32
    %select_n3A = arith.select %and3A, %sub3A_119, %div3A : i32
    %iota3A = tpu.iota {dimensions = array<i32: 0>} : vector<512x512xi32>
    %iota3A_120 = tpu.iota {dimensions = array<i32: 1>} : vector<512x512xi32>
    %lt3A = arith.cmpi slt, %iota3A, %iota3A_120 : vector<512x512xi32>
    %while3A = arith.constant 0 : i32
    %while3A_121 = arith.constant 0 : i32
    %while3A_122 = arith.subi %select_n3A, %while3A_121 : i32
    %while3A_123 = arith.addi %while3A_121, %while3A_122 : i32
    %while3A_124 = arith.constant 1 : i32
    %while3A_125 = arith.divsi %while3A_122, %while3A_124 : i32
    %while3A_126 = arith.muli %while3A_125, %while3A_124 : i32
    %while3A_127 = arith.addi %while3A_121, %while3A_126 : i32
    %while3A_128 = arith.constant 1 : i32
    scf.for %while3A_246 = %while3A_121 to %while3A_127 step %while3A_128  : i32 {
      %mul3A_247 = arith.constant 512 : i32
      %mul3A_248 = arith.muli %while3A_246, %mul3A_247 : i32
      %multiple_of3A = tpu.assume_multiple %mul3A_248, 512 : i32
      %get3A_249 = arith.constant 0 : index
      %get3A_250 = arith.index_cast %multiple_of3A : i32 to index
      %get3A_251 = arith.constant 0 : index
      %get3A_252 = vector.load %arg1[%get3A_249, %get3A_250, %get3A_251] : memref<1x5120x8xf32, #tpu.memory_space<vmem>>, vector<1x512x8xf32>
      %get3A_253 = vector.shape_cast %get3A_252 : vector<1x512x8xf32> to vector<512x8xf32>
      %slice3A_254 = vector.extract_strided_slice %get3A_253 {offsets = [0, 0], sizes = [512, 1], strides = [1, 1]} : vector<512x8xf32> to vector<512x1xf32>
      %slice3A_255 = vector.extract_strided_slice %get3A_253 {offsets = [0, 1], sizes = [512, 1], strides = [1, 1]} : vector<512x8xf32> to vector<512x1xf32>
      %slice3A_256 = vector.extract_strided_slice %get3A_253 {offsets = [0, 2], sizes = [512, 1], strides = [1, 1]} : vector<512x8xf32> to vector<512x1xf32>
      %slice3A_257 = vector.extract_strided_slice %get3A_253 {offsets = [0, 3], sizes = [512, 1], strides = [1, 1]} : vector<512x8xf32> to vector<512x1xf32>
      %div3A_258 = arith.constant 2.000000e+00 : f32
      %div3A_259 = vector.broadcast %div3A_258 : f32 to vector<512x1xf32>
      %div3A_260 = arith.divf %slice3A_256, %div3A_259 : vector<512x1xf32>
      %sub3A_261 = arith.subf %slice3A_254, %div3A_260 : vector<512x1xf32>
      %div3A_262 = arith.constant 2.000000e+00 : f32
      %div3A_263 = vector.broadcast %div3A_262 : f32 to vector<512x1xf32>
      %div3A_264 = arith.divf %slice3A_257, %div3A_263 : vector<512x1xf32>
      %sub3A_265 = arith.subf %slice3A_255, %div3A_264 : vector<512x1xf32>
      %div3A_266 = arith.constant 2.000000e+00 : f32
      %div3A_267 = vector.broadcast %div3A_266 : f32 to vector<512x1xf32>
      %div3A_268 = arith.divf %slice3A_256, %div3A_267 : vector<512x1xf32>
      %add3A_269 = arith.addf %slice3A_254, %div3A_268 : vector<512x1xf32>
      %div3A_270 = arith.constant 2.000000e+00 : f32
      %div3A_271 = vector.broadcast %div3A_270 : f32 to vector<512x1xf32>
      %div3A_272 = arith.divf %slice3A_257, %div3A_271 : vector<512x1xf32>
      %add3A_273 = arith.addf %slice3A_255, %div3A_272 : vector<512x1xf32>
      %slice3A_274 = vector.extract_strided_slice %get3A_253 {offsets = [0, 6], sizes = [512, 1], strides = [1, 1]} : vector<512x8xf32> to vector<512x1xf32>
      %multiple_of3A_275 = tpu.assume_multiple %mul3A_248, 512 : i32
      %get3A_276 = arith.constant 0 : index
      %get3A_277 = arith.index_cast %multiple_of3A_275 : i32 to index
      %get3A_278 = vector.load %arg3[%get3A_276, %get3A_277] : memref<8x5120xf32, #tpu.memory_space<vmem>>, vector<8x512xf32>
      %slice3A_279 = vector.extract_strided_slice %get3A_278 {offsets = [0, 0], sizes = [1, 512], strides = [1, 1]} : vector<8x512xf32> to vector<1x512xf32>
      %slice3A_280 = vector.extract_strided_slice %get3A_278 {offsets = [1, 0], sizes = [1, 512], strides = [1, 1]} : vector<8x512xf32> to vector<1x512xf32>
      %slice3A_281 = vector.extract_strided_slice %get3A_278 {offsets = [2, 0], sizes = [1, 512], strides = [1, 1]} : vector<8x512xf32> to vector<1x512xf32>
      %slice3A_282 = vector.extract_strided_slice %get3A_278 {offsets = [3, 0], sizes = [1, 512], strides = [1, 1]} : vector<8x512xf32> to vector<1x512xf32>
      %div3A_283 = arith.constant 2.000000e+00 : f32
      %div3A_284 = vector.broadcast %div3A_283 : f32 to vector<1x512xf32>
      %div3A_285 = arith.divf %slice3A_281, %div3A_284 : vector<1x512xf32>
      %sub3A_286 = arith.subf %slice3A_279, %div3A_285 : vector<1x512xf32>
      %div3A_287 = arith.constant 2.000000e+00 : f32
      %div3A_288 = vector.broadcast %div3A_287 : f32 to vector<1x512xf32>
      %div3A_289 = arith.divf %slice3A_282, %div3A_288 : vector<1x512xf32>
      %sub3A_290 = arith.subf %slice3A_280, %div3A_289 : vector<1x512xf32>
      %div3A_291 = arith.constant 2.000000e+00 : f32
      %div3A_292 = vector.broadcast %div3A_291 : f32 to vector<1x512xf32>
      %div3A_293 = arith.divf %slice3A_281, %div3A_292 : vector<1x512xf32>
      %add3A_294 = arith.addf %slice3A_279, %div3A_293 : vector<1x512xf32>
      %div3A_295 = arith.constant 2.000000e+00 : f32
      %div3A_296 = vector.broadcast %div3A_295 : f32 to vector<1x512xf32>
      %div3A_297 = arith.divf %slice3A_282, %div3A_296 : vector<1x512xf32>
      %add3A_298 = arith.addf %slice3A_280, %div3A_297 : vector<1x512xf32>
      %slice3A_299 = vector.extract_strided_slice %get3A_278 {offsets = [6, 0], sizes = [1, 512], strides = [1, 1]} : vector<8x512xf32> to vector<1x512xf32>
      %slice3A_300 = vector.extract_strided_slice %get3A_278 {offsets = [7, 0], sizes = [1, 512], strides = [1, 1]} : vector<8x512xf32> to vector<1x512xf32>
      %max3A = vector.broadcast %sub3A_261 : vector<512x1xf32> to vector<512x512xf32>
      %max3A_301 = vector.broadcast %sub3A_286 : vector<1x512xf32> to vector<512x512xf32>
      %max3A_302 = arith.maximumf %max3A, %max3A_301 : vector<512x512xf32>
      %max3A_303 = vector.broadcast %sub3A_265 : vector<512x1xf32> to vector<512x512xf32>
      %max3A_304 = vector.broadcast %sub3A_290 : vector<1x512xf32> to vector<512x512xf32>
      %max3A_305 = arith.maximumf %max3A_303, %max3A_304 : vector<512x512xf32>
      %min3A = vector.broadcast %add3A_269 : vector<512x1xf32> to vector<512x512xf32>
      %min3A_306 = vector.broadcast %add3A_294 : vector<1x512xf32> to vector<512x512xf32>
      %min3A_307 = arith.minimumf %min3A, %min3A_306 : vector<512x512xf32>
      %min3A_308 = vector.broadcast %add3A_273 : vector<512x1xf32> to vector<512x512xf32>
      %min3A_309 = vector.broadcast %add3A_298 : vector<1x512xf32> to vector<512x512xf32>
      %min3A_310 = arith.minimumf %min3A_308, %min3A_309 : vector<512x512xf32>
      %sub3A_311 = arith.subf %min3A_307, %max3A_302 : vector<512x512xf32>
      %jit3A_312 = arith.constant 0.000000e+00 : f32
      %max3A_313 = vector.broadcast %jit3A_312 : f32 to vector<512x512xf32>
      %max3A_314 = arith.maximumf %max3A_313, %sub3A_311 : vector<512x512xf32>
      %sub3A_315 = arith.subf %min3A_310, %max3A_305 : vector<512x512xf32>
      %jit3A_316 = arith.constant 0.000000e+00 : f32
      %max3A_317 = vector.broadcast %jit3A_316 : f32 to vector<512x512xf32>
      %max3A_318 = arith.maximumf %max3A_317, %sub3A_315 : vector<512x512xf32>
      %mul3A_319 = arith.mulf %max3A_314, %max3A_318 : vector<512x512xf32>
      %sub3A_320 = arith.subf %add3A_269, %sub3A_261 : vector<512x1xf32>
      %jit3A_321 = arith.constant 0.000000e+00 : f32
      %max3A_322 = vector.broadcast %jit3A_321 : f32 to vector<512x1xf32>
      %max3A_323 = arith.maximumf %max3A_322, %sub3A_320 : vector<512x1xf32>
      %sub3A_324 = arith.subf %add3A_273, %sub3A_265 : vector<512x1xf32>
      %jit3A_325 = arith.constant 0.000000e+00 : f32
      %max3A_326 = vector.broadcast %jit3A_325 : f32 to vector<512x1xf32>
      %max3A_327 = arith.maximumf %max3A_326, %sub3A_324 : vector<512x1xf32>
      %mul3A_328 = arith.mulf %max3A_323, %max3A_327 : vector<512x1xf32>
      %sub3A_329 = arith.subf %add3A_294, %sub3A_286 : vector<1x512xf32>
      %jit3A_330 = arith.constant 0.000000e+00 : f32
      %max3A_331 = vector.broadcast %jit3A_330 : f32 to vector<1x512xf32>
      %max3A_332 = arith.maximumf %max3A_331, %sub3A_329 : vector<1x512xf32>
      %sub3A_333 = arith.subf %add3A_298, %sub3A_290 : vector<1x512xf32>
      %jit3A_334 = arith.constant 0.000000e+00 : f32
      %max3A_335 = vector.broadcast %jit3A_334 : f32 to vector<1x512xf32>
      %max3A_336 = arith.maximumf %max3A_335, %sub3A_333 : vector<1x512xf32>
      %mul3A_337 = arith.mulf %max3A_332, %max3A_336 : vector<1x512xf32>
      %add3A_338 = vector.broadcast %mul3A_328 : vector<512x1xf32> to vector<512x512xf32>
      %add3A_339 = vector.broadcast %mul3A_337 : vector<1x512xf32> to vector<512x512xf32>
      %add3A_340 = arith.addf %add3A_338, %add3A_339 : vector<512x512xf32>
      %sub3A_341 = arith.subf %add3A_340, %mul3A_319 : vector<512x512xf32>
      %add3A_342 = arith.constant 9.99999971E-10 : f32
      %add3A_343 = vector.broadcast %add3A_342 : f32 to vector<512x512xf32>
      %add3A_344 = arith.addf %sub3A_341, %add3A_343 : vector<512x512xf32>
      %div3A_345 = arith.divf %mul3A_319, %add3A_344 : vector<512x512xf32>
      %gt3A = arith.constant 4.500000e-01 : f32
      %gt3A_346 = vector.broadcast %gt3A : f32 to vector<512x512xf32>
      %gt3A_347 = arith.cmpf ogt, %div3A_345, %gt3A_346 : vector<512x512xf32>
      %eq3A = vector.broadcast %slice3A_274 : vector<512x1xf32> to vector<512x512xf32>
      %eq3A_348 = vector.broadcast %slice3A_299 : vector<1x512xf32> to vector<512x512xf32>
      %eq3A_349 = arith.cmpf oeq, %eq3A, %eq3A_348 : vector<512x512xf32>
      %and3A_350 = arith.andi %gt3A_347, %eq3A_349 : vector<512x512xi1>
      %and3A_351 = arith.andi %and3A_350, %lt3A : vector<512x512xi1>
      %convert_element_type3A_352 = arith.extui %and3A_351 : vector<512x512xi1> to vector<512x512xi32>
      %convert_element_type3A_353 = arith.sitofp %convert_element_type3A_352 : vector<512x512xi32> to vector<512x512xf32>
      %multiple_of3A_354 = tpu.assume_multiple %mul3A_248, 512 : i32
      %get3A_355 = arith.constant 0 : index
      %get3A_356 = arith.index_cast %multiple_of3A_354 : i32 to index
      %get3A_357 = vector.load %arg5[%get3A_355, %get3A_356] : memref<1x5120xf32, #tpu.memory_space<vmem>>, vector<1x512xf32>
      %sub3A_358 = arith.constant 1.000000e+00 : f32
      %sub3A_359 = vector.broadcast %sub3A_358 : f32 to vector<1x512xf32>
      %sub3A_360 = arith.subf %sub3A_359, %get3A_357 : vector<1x512xf32>
      %mul3A_361 = arith.mulf %slice3A_300, %sub3A_360 : vector<1x512xf32>
      %while3A_362 = arith.constant true
      %while3A_363:2 = scf.while (%while3A_381 = %mul3A_361, %while3A_382 = %while3A_362) : (vector<1x512xf32>, i1) -> (vector<1x512xf32>, i1) {
        scf.condition(%while3A_382) %while3A_381, %while3A_382 : vector<1x512xf32>, i1
      } do {
      ^bb0(%while3A_381: vector<1x512xf32>, %while3A_382: i1):
        %broadcast_in_dim3A_383 = vector.shape_cast %while3A_381 : vector<1x512xf32> to vector<1x512xf32>
        %broadcast_in_dim3A_384 = vector.broadcast %broadcast_in_dim3A_383 : vector<1x512xf32> to vector<8x512xf32>
        %dot_general3A = arith.constant dense<0.000000e+00> : vector<8x512xf32>
        %dot_general3A_385 = tpu.matmul %broadcast_in_dim3A_384, %convert_element_type3A_353, %dot_general3A {dimension_numbers = #tpu.dot_dimension_numbers<[1], [0], [0], [1], [0, 0, 1, 1], [], []>, transpose_lhs_hint = false} : vector<8x512xf32>, vector<512x512xf32>, vector<8x512xf32> -> vector<8x512xf32>
        %slice3A_386 = vector.extract_strided_slice %dot_general3A_385 {offsets = [0, 0], sizes = [1, 512], strides = [1, 1]} : vector<8x512xf32> to vector<1x512xf32>
        %gt3A_387 = arith.constant 0.000000e+00 : f32
        %gt3A_388 = vector.broadcast %gt3A_387 : f32 to vector<1x512xf32>
        %gt3A_389 = arith.cmpf ogt, %slice3A_386, %gt3A_388 : vector<1x512xf32>
        %convert_element_type3A_390 = arith.extui %gt3A_389 : vector<1x512xi1> to vector<1x512xi32>
        %convert_element_type3A_391 = arith.sitofp %convert_element_type3A_390 : vector<1x512xi32> to vector<1x512xf32>
        %sub3A_392 = arith.constant 1.000000e+00 : f32
        %sub3A_393 = vector.broadcast %sub3A_392 : f32 to vector<1x512xf32>
        %sub3A_394 = arith.subf %sub3A_393, %convert_element_type3A_391 : vector<1x512xf32>
        %mul3A_395 = arith.mulf %mul3A_361, %sub3A_394 : vector<1x512xf32>
        %ne3A_396 = arith.cmpf one, %mul3A_395, %while3A_381 : vector<1x512xf32>
        %reduce_or3A = arith.constant 1.000000e+00 : f32
        %reduce_or3A_397 = arith.constant 0.000000e+00 : f32
        %reduce_or3A_398 = vector.broadcast %reduce_or3A : f32 to vector<1x512xf32>
        %reduce_or3A_399 = vector.broadcast %reduce_or3A_397 : f32 to vector<1x512xf32>
        %reduce_or3A_400 = arith.select %ne3A_396, %reduce_or3A_398, %reduce_or3A_399 : vector<1x512xi1>, vector<1x512xf32>
        %reduce_or3A_401 = vector.shape_cast %reduce_or3A_400 : vector<1x512xf32> to vector<1x1x512xf32>
        %reduce_or3A_402 = arith.constant dense<0xFF800000> : vector<1xf32>
        %reduce_or3A_403 = vector.multi_reduction <maximumf>, %reduce_or3A_401, %reduce_or3A_402 [1, 2] : vector<1x1x512xf32> to vector<1xf32>
        %reduce_or3A_404 = vector.shape_cast %reduce_or3A_403 : vector<1xf32> to vector<1x1x1xf32>
        %reduce_or3A_405 = vector.extract %reduce_or3A_404[0, 0, 0] : f32 from vector<1x1x1xf32>
        %reduce_or3A_406 = arith.constant 0.000000e+00 : f32
        %reduce_or3A_407 = arith.cmpf ogt, %reduce_or3A_405, %reduce_or3A_406 : f32
        scf.yield %mul3A_395, %reduce_or3A_407 : vector<1x512xf32>, i1
      }
      %multiple_of3A_364 = tpu.assume_multiple %mul3A_248, 512 : i32
      %swap3A_365 = arith.constant 0 : index
      %swap3A_366 = arith.index_cast %multiple_of3A_364 : i32 to index
      %swap3A_367 = vector.load %arg4[%swap3A_365, %swap3A_366] : memref<1x5120xf32, #tpu.memory_space<vmem>>, vector<1x512xf32>
      tpu.vector_store %arg4[%swap3A_365, %swap3A_366], %while3A_363#0 {strides = array<i32>} : memref<1x5120xf32, #tpu.memory_space<vmem>>, vector<1x512xf32>,
      %broadcast_in_dim3A_368 = vector.shape_cast %while3A_363#0 : vector<1x512xf32> to vector<1x512xf32>
      %broadcast_in_dim3A_369 = vector.broadcast %broadcast_in_dim3A_368 : vector<1x512xf32> to vector<8x512xf32>
      %add3A_370 = arith.constant 1 : i32
      %add3A_371 = arith.addi %while3A_246, %add3A_370 : i32
      %while3A_372 = arith.constant 0 : i32
      %while3A_373 = arith.subi %select_n3A, %add3A_371 : i32
      %while3A_374 = arith.addi %add3A_371, %while3A_373 : i32
      %while3A_375 = arith.constant 1 : i32
      %while3A_376 = arith.divsi %while3A_373, %while3A_375 : i32
      %while3A_377 = arith.muli %while3A_376, %while3A_375 : i32
      %while3A_378 = arith.addi %add3A_371, %while3A_377 : i32
      %while3A_379 = arith.constant 1 : i32
      scf.for %while3A_381 = %add3A_371 to %while3A_378 step %while3A_379  : i32 {
        %mul3A_382 = arith.constant 512 : i32
        %mul3A_383 = arith.muli %while3A_381, %mul3A_382 : i32
        %multiple_of3A_384 = tpu.assume_multiple %mul3A_383, 512 : i32
        %get3A_385 = arith.constant 0 : index
        %get3A_386 = arith.index_cast %multiple_of3A_384 : i32 to index
        %get3A_387 = vector.load %arg3[%get3A_385, %get3A_386] : memref<8x5120xf32, #tpu.memory_space<vmem>>, vector<8x512xf32>
        %slice3A_388 = vector.extract_strided_slice %get3A_387 {offsets = [0, 0], sizes = [1, 512], strides = [1, 1]} : vector<8x512xf32> to vector<1x512xf32>
        %slice3A_389 = vector.extract_strided_slice %get3A_387 {offsets = [1, 0], sizes = [1, 512], strides = [1, 1]} : vector<8x512xf32> to vector<1x512xf32>
        %slice3A_390 = vector.extract_strided_slice %get3A_387 {offsets = [2, 0], sizes = [1, 512], strides = [1, 1]} : vector<8x512xf32> to vector<1x512xf32>
        %slice3A_391 = vector.extract_strided_slice %get3A_387 {offsets = [3, 0], sizes = [1, 512], strides = [1, 1]} : vector<8x512xf32> to vector<1x512xf32>
        %div3A_392 = arith.constant 2.000000e+00 : f32
        %div3A_393 = vector.broadcast %div3A_392 : f32 to vector<1x512xf32>
        %div3A_394 = arith.divf %slice3A_390, %div3A_393 : vector<1x512xf32>
        %sub3A_395 = arith.subf %slice3A_388, %div3A_394 : vector<1x512xf32>
        %div3A_396 = arith.constant 2.000000e+00 : f32
        %div3A_397 = vector.broadcast %div3A_396 : f32 to vector<1x512xf32>
        %div3A_398 = arith.divf %slice3A_391, %div3A_397 : vector<1x512xf32>
        %sub3A_399 = arith.subf %slice3A_389, %div3A_398 : vector<1x512xf32>
        %div3A_400 = arith.constant 2.000000e+00 : f32
        %div3A_401 = vector.broadcast %div3A_400 : f32 to vector<1x512xf32>
        %div3A_402 = arith.divf %slice3A_390, %div3A_401 : vector<1x512xf32>
        %add3A_403 = arith.addf %slice3A_388, %div3A_402 : vector<1x512xf32>
        %div3A_404 = arith.constant 2.000000e+00 : f32
        %div3A_405 = vector.broadcast %div3A_404 : f32 to vector<1x512xf32>
        %div3A_406 = arith.divf %slice3A_391, %div3A_405 : vector<1x512xf32>
        %add3A_407 = arith.addf %slice3A_389, %div3A_406 : vector<1x512xf32>
        %slice3A_408 = vector.extract_strided_slice %get3A_387 {offsets = [6, 0], sizes = [1, 512], strides = [1, 1]} : vector<8x512xf32> to vector<1x512xf32>
        %slice3A_409 = vector.extract_strided_slice %get3A_387 {offsets = [7, 0], sizes = [1, 512], strides = [1, 1]} : vector<8x512xf32> to vector<1x512xf32>
        %max3A_410 = vector.broadcast %sub3A_261 : vector<512x1xf32> to vector<512x512xf32>
        %max3A_411 = vector.broadcast %sub3A_395 : vector<1x512xf32> to vector<512x512xf32>
        %max3A_412 = arith.maximumf %max3A_410, %max3A_411 : vector<512x512xf32>
        %max3A_413 = vector.broadcast %sub3A_265 : vector<512x1xf32> to vector<512x512xf32>
        %max3A_414 = vector.broadcast %sub3A_399 : vector<1x512xf32> to vector<512x512xf32>
        %max3A_415 = arith.maximumf %max3A_413, %max3A_414 : vector<512x512xf32>
        %min3A_416 = vector.broadcast %add3A_269 : vector<512x1xf32> to vector<512x512xf32>
        %min3A_417 = vector.broadcast %add3A_403 : vector<1x512xf32> to vector<512x512xf32>
        %min3A_418 = arith.minimumf %min3A_416, %min3A_417 : vector<512x512xf32>
        %min3A_419 = vector.broadcast %add3A_273 : vector<512x1xf32> to vector<512x512xf32>
        %min3A_420 = vector.broadcast %add3A_407 : vector<1x512xf32> to vector<512x512xf32>
        %min3A_421 = arith.minimumf %min3A_419, %min3A_420 : vector<512x512xf32>
        %sub3A_422 = arith.subf %min3A_418, %max3A_412 : vector<512x512xf32>
        %jit3A_423 = arith.constant 0.000000e+00 : f32
        %max3A_424 = vector.broadcast %jit3A_423 : f32 to vector<512x512xf32>
        %max3A_425 = arith.maximumf %max3A_424, %sub3A_422 : vector<512x512xf32>
        %sub3A_426 = arith.subf %min3A_421, %max3A_415 : vector<512x512xf32>
        %jit3A_427 = arith.constant 0.000000e+00 : f32
        %max3A_428 = vector.broadcast %jit3A_427 : f32 to vector<512x512xf32>
        %max3A_429 = arith.maximumf %max3A_428, %sub3A_426 : vector<512x512xf32>
        %mul3A_430 = arith.mulf %max3A_425, %max3A_429 : vector<512x512xf32>
        %sub3A_431 = arith.subf %add3A_269, %sub3A_261 : vector<512x1xf32>
        %jit3A_432 = arith.constant 0.000000e+00 : f32
        %max3A_433 = vector.broadcast %jit3A_432 : f32 to vector<512x1xf32>
        %max3A_434 = arith.maximumf %max3A_433, %sub3A_431 : vector<512x1xf32>
        %sub3A_435 = arith.subf %add3A_273, %sub3A_265 : vector<512x1xf32>
        %jit3A_436 = arith.constant 0.000000e+00 : f32
        %max3A_437 = vector.broadcast %jit3A_436 : f32 to vector<512x1xf32>
        %max3A_438 = arith.maximumf %max3A_437, %sub3A_435 : vector<512x1xf32>
        %mul3A_439 = arith.mulf %max3A_434, %max3A_438 : vector<512x1xf32>
        %sub3A_440 = arith.subf %add3A_403, %sub3A_395 : vector<1x512xf32>
        %jit3A_441 = arith.constant 0.000000e+00 : f32
        %max3A_442 = vector.broadcast %jit3A_441 : f32 to vector<1x512xf32>
        %max3A_443 = arith.maximumf %max3A_442, %sub3A_440 : vector<1x512xf32>
        %sub3A_444 = arith.subf %add3A_407, %sub3A_399 : vector<1x512xf32>
        %jit3A_445 = arith.constant 0.000000e+00 : f32
        %max3A_446 = vector.broadcast %jit3A_445 : f32 to vector<1x512xf32>
        %max3A_447 = arith.maximumf %max3A_446, %sub3A_444 : vector<1x512xf32>
        %mul3A_448 = arith.mulf %max3A_443, %max3A_447 : vector<1x512xf32>
        %add3A_449 = vector.broadcast %mul3A_439 : vector<512x1xf32> to vector<512x512xf32>
        %add3A_450 = vector.broadcast %mul3A_448 : vector<1x512xf32> to vector<512x512xf32>
        %add3A_451 = arith.addf %add3A_449, %add3A_450 : vector<512x512xf32>
        %sub3A_452 = arith.subf %add3A_451, %mul3A_430 : vector<512x512xf32>
        %add3A_453 = arith.constant 9.99999971E-10 : f32
        %add3A_454 = vector.broadcast %add3A_453 : f32 to vector<512x512xf32>
        %add3A_455 = arith.addf %sub3A_452, %add3A_454 : vector<512x512xf32>
        %div3A_456 = arith.divf %mul3A_430, %add3A_455 : vector<512x512xf32>
        %gt3A_457 = arith.constant 4.500000e-01 : f32
        %gt3A_458 = vector.broadcast %gt3A_457 : f32 to vector<512x512xf32>
        %gt3A_459 = arith.cmpf ogt, %div3A_456, %gt3A_458 : vector<512x512xf32>
        %eq3A_460 = vector.broadcast %slice3A_274 : vector<512x1xf32> to vector<512x512xf32>
        %eq3A_461 = vector.broadcast %slice3A_408 : vector<1x512xf32> to vector<512x512xf32>
        %eq3A_462 = arith.cmpf oeq, %eq3A_460, %eq3A_461 : vector<512x512xf32>
        %and3A_463 = arith.andi %gt3A_459, %eq3A_462 : vector<512x512xi1>
        %convert_element_type3A_464 = arith.extui %and3A_463 : vector<512x512xi1> to vector<512x512xi32>
        %convert_element_type3A_465 = arith.sitofp %convert_element_type3A_464 : vector<512x512xi32> to vector<512x512xf32>
        %dot_general3A = arith.constant dense<0.000000e+00> : vector<8x512xf32>
        %dot_general3A_466 = tpu.matmul %broadcast_in_dim3A_369, %convert_element_type3A_465, %dot_general3A {dimension_numbers = #tpu.dot_dimension_numbers<[1], [0], [0], [1], [0, 0, 1, 1], [], []>, transpose_lhs_hint = false} : vector<8x512xf32>, vector<512x512xf32>, vector<8x512xf32> -> vector<8x512xf32>
        %slice3A_467 = vector.extract_strided_slice %dot_general3A_466 {offsets = [0, 0], sizes = [1, 512], strides = [1, 1]} : vector<8x512xf32> to vector<1x512xf32>
        %multiple_of3A_468 = tpu.assume_multiple %mul3A_383, 512 : i32
        %get3A_469 = arith.constant 0 : index
        %get3A_470 = arith.index_cast %multiple_of3A_468 : i32 to index
        %get3A_471 = vector.load %arg5[%get3A_469, %get3A_470] : memref<1x5120xf32, #tpu.memory_space<vmem>>, vector<1x512xf32>
        %gt3A_472 = arith.constant 0.000000e+00 : f32
        %gt3A_473 = vector.broadcast %gt3A_472 : f32 to vector<1x512xf32>
        %gt3A_474 = arith.cmpf ogt, %slice3A_467, %gt3A_473 : vector<1x512xf32>
        %convert_element_type3A_475 = arith.extui %gt3A_474 : vector<1x512xi1> to vector<1x512xi32>
        %convert_element_type3A_476 = arith.sitofp %convert_element_type3A_475 : vector<1x512xi32> to vector<1x512xf32>
        %max3A_477 = arith.maximumf %get3A_471, %convert_element_type3A_476 : vector<1x512xf32>
        %multiple_of3A_478 = tpu.assume_multiple %mul3A_383, 512 : i32
        %swap3A_479 = arith.constant 0 : index
        %swap3A_480 = arith.index_cast %multiple_of3A_478 : i32 to index
        %swap3A_481 = vector.load %arg5[%swap3A_479, %swap3A_480] : memref<1x5120xf32, #tpu.memory_space<vmem>>, vector<1x512xf32>
        tpu.vector_store %arg5[%swap3A_479, %swap3A_480], %max3A_477 {strides = array<i32>} : memref<1x5120xf32, #tpu.memory_space<vmem>>, vector<1x512xf32>,
      }
      %while3A_380 = arith.constant 1 : i32
      scf.for %while3A_381 = %while3A_378 to %while3A_374 step %while3A_380  : i32 {
        %mul3A_382 = arith.constant 512 : i32
        %mul3A_383 = arith.muli %while3A_381, %mul3A_382 : i32
        %multiple_of3A_384 = tpu.assume_multiple %mul3A_383, 512 : i32
        %get3A_385 = arith.constant 0 : index
        %get3A_386 = arith.index_cast %multiple_of3A_384 : i32 to index
        %get3A_387 = vector.load %arg3[%get3A_385, %get3A_386] : memref<8x5120xf32, #tpu.memory_space<vmem>>, vector<8x512xf32>
        %slice3A_388 = vector.extract_strided_slice %get3A_387 {offsets = [0, 0], sizes = [1, 512], strides = [1, 1]} : vector<8x512xf32> to vector<1x512xf32>
        %slice3A_389 = vector.extract_strided_slice %get3A_387 {offsets = [1, 0], sizes = [1, 512], strides = [1, 1]} : vector<8x512xf32> to vector<1x512xf32>
        %slice3A_390 = vector.extract_strided_slice %get3A_387 {offsets = [2, 0], sizes = [1, 512], strides = [1, 1]} : vector<8x512xf32> to vector<1x512xf32>
        %slice3A_391 = vector.extract_strided_slice %get3A_387 {offsets = [3, 0], sizes = [1, 512], strides = [1, 1]} : vector<8x512xf32> to vector<1x512xf32>
        %div3A_392 = arith.constant 2.000000e+00 : f32
        %div3A_393 = vector.broadcast %div3A_392 : f32 to vector<1x512xf32>
        %div3A_394 = arith.divf %slice3A_390, %div3A_393 : vector<1x512xf32>
        %sub3A_395 = arith.subf %slice3A_388, %div3A_394 : vector<1x512xf32>
        %div3A_396 = arith.constant 2.000000e+00 : f32
        %div3A_397 = vector.broadcast %div3A_396 : f32 to vector<1x512xf32>
        %div3A_398 = arith.divf %slice3A_391, %div3A_397 : vector<1x512xf32>
        %sub3A_399 = arith.subf %slice3A_389, %div3A_398 : vector<1x512xf32>
        %div3A_400 = arith.constant 2.000000e+00 : f32
        %div3A_401 = vector.broadcast %div3A_400 : f32 to vector<1x512xf32>
        %div3A_402 = arith.divf %slice3A_390, %div3A_401 : vector<1x512xf32>
        %add3A_403 = arith.addf %slice3A_388, %div3A_402 : vector<1x512xf32>
        %div3A_404 = arith.constant 2.000000e+00 : f32
        %div3A_405 = vector.broadcast %div3A_404 : f32 to vector<1x512xf32>
        %div3A_406 = arith.divf %slice3A_391, %div3A_405 : vector<1x512xf32>
        %add3A_407 = arith.addf %slice3A_389, %div3A_406 : vector<1x512xf32>
        %slice3A_408 = vector.extract_strided_slice %get3A_387 {offsets = [6, 0], sizes = [1, 512], strides = [1, 1]} : vector<8x512xf32> to vector<1x512xf32>
        %slice3A_409 = vector.extract_strided_slice %get3A_387 {offsets = [7, 0], sizes = [1, 512], strides = [1, 1]} : vector<8x512xf32> to vector<1x512xf32>
        %max3A_410 = vector.broadcast %sub3A_261 : vector<512x1xf32> to vector<512x512xf32>
        %max3A_411 = vector.broadcast %sub3A_395 : vector<1x512xf32> to vector<512x512xf32>
        %max3A_412 = arith.maximumf %max3A_410, %max3A_411 : vector<512x512xf32>
        %max3A_413 = vector.broadcast %sub3A_265 : vector<512x1xf32> to vector<512x512xf32>
        %max3A_414 = vector.broadcast %sub3A_399 : vector<1x512xf32> to vector<512x512xf32>
        %max3A_415 = arith.maximumf %max3A_413, %max3A_414 : vector<512x512xf32>
        %min3A_416 = vector.broadcast %add3A_269 : vector<512x1xf32> to vector<512x512xf32>
        %min3A_417 = vector.broadcast %add3A_403 : vector<1x512xf32> to vector<512x512xf32>
        %min3A_418 = arith.minimumf %min3A_416, %min3A_417 : vector<512x512xf32>
        %min3A_419 = vector.broadcast %add3A_273 : vector<512x1xf32> to vector<512x512xf32>
        %min3A_420 = vector.broadcast %add3A_407 : vector<1x512xf32> to vector<512x512xf32>
        %min3A_421 = arith.minimumf %min3A_419, %min3A_420 : vector<512x512xf32>
        %sub3A_422 = arith.subf %min3A_418, %max3A_412 : vector<512x512xf32>
        %jit3A_423 = arith.constant 0.000000e+00 : f32
        %max3A_424 = vector.broadcast %jit3A_423 : f32 to vector<512x512xf32>
        %max3A_425 = arith.maximumf %max3A_424, %sub3A_422 : vector<512x512xf32>
        %sub3A_426 = arith.subf %min3A_421, %max3A_415 : vector<512x512xf32>
        %jit3A_427 = arith.constant 0.000000e+00 : f32
        %max3A_428 = vector.broadcast %jit3A_427 : f32 to vector<512x512xf32>
        %max3A_429 = arith.maximumf %max3A_428, %sub3A_426 : vector<512x512xf32>
        %mul3A_430 = arith.mulf %max3A_425, %max3A_429 : vector<512x512xf32>
        %sub3A_431 = arith.subf %add3A_269, %sub3A_261 : vector<512x1xf32>
        %jit3A_432 = arith.constant 0.000000e+00 : f32
        %max3A_433 = vector.broadcast %jit3A_432 : f32 to vector<512x1xf32>
        %max3A_434 = arith.maximumf %max3A_433, %sub3A_431 : vector<512x1xf32>
        %sub3A_435 = arith.subf %add3A_273, %sub3A_265 : vector<512x1xf32>
        %jit3A_436 = arith.constant 0.000000e+00 : f32
        %max3A_437 = vector.broadcast %jit3A_436 : f32 to vector<512x1xf32>
        %max3A_438 = arith.maximumf %max3A_437, %sub3A_435 : vector<512x1xf32>
        %mul3A_439 = arith.mulf %max3A_434, %max3A_438 : vector<512x1xf32>
        %sub3A_440 = arith.subf %add3A_403, %sub3A_395 : vector<1x512xf32>
        %jit3A_441 = arith.constant 0.000000e+00 : f32
        %max3A_442 = vector.broadcast %jit3A_441 : f32 to vector<1x512xf32>
        %max3A_443 = arith.maximumf %max3A_442, %sub3A_440 : vector<1x512xf32>
        %sub3A_444 = arith.subf %add3A_407, %sub3A_399 : vector<1x512xf32>
        %jit3A_445 = arith.constant 0.000000e+00 : f32
        %max3A_446 = vector.broadcast %jit3A_445 : f32 to vector<1x512xf32>
        %max3A_447 = arith.maximumf %max3A_446, %sub3A_444 : vector<1x512xf32>
        %mul3A_448 = arith.mulf %max3A_443, %max3A_447 : vector<1x512xf32>
        %add3A_449 = vector.broadcast %mul3A_439 : vector<512x1xf32> to vector<512x512xf32>
        %add3A_450 = vector.broadcast %mul3A_448 : vector<1x512xf32> to vector<512x512xf32>
        %add3A_451 = arith.addf %add3A_449, %add3A_450 : vector<512x512xf32>
        %sub3A_452 = arith.subf %add3A_451, %mul3A_430 : vector<512x512xf32>
        %add3A_453 = arith.constant 9.99999971E-10 : f32
        %add3A_454 = vector.broadcast %add3A_453 : f32 to vector<512x512xf32>
        %add3A_455 = arith.addf %sub3A_452, %add3A_454 : vector<512x512xf32>
        %div3A_456 = arith.divf %mul3A_430, %add3A_455 : vector<512x512xf32>
        %gt3A_457 = arith.constant 4.500000e-01 : f32
        %gt3A_458 = vector.broadcast %gt3A_457 : f32 to vector<512x512xf32>
        %gt3A_459 = arith.cmpf ogt, %div3A_456, %gt3A_458 : vector<512x512xf32>
        %eq3A_460 = vector.broadcast %slice3A_274 : vector<512x1xf32> to vector<512x512xf32>
        %eq3A_461 = vector.broadcast %slice3A_408 : vector<1x512xf32> to vector<512x512xf32>
        %eq3A_462 = arith.cmpf oeq, %eq3A_460, %eq3A_461 : vector<512x512xf32>
        %and3A_463 = arith.andi %gt3A_459, %eq3A_462 : vector<512x512xi1>
        %convert_element_type3A_464 = arith.extui %and3A_463 : vector<512x512xi1> to vector<512x512xi32>
        %convert_element_type3A_465 = arith.sitofp %convert_element_type3A_464 : vector<512x512xi32> to vector<512x512xf32>
        %dot_general3A = arith.constant dense<0.000000e+00> : vector<8x512xf32>
        %dot_general3A_466 = tpu.matmul %broadcast_in_dim3A_369, %convert_element_type3A_465, %dot_general3A {dimension_numbers = #tpu.dot_dimension_numbers<[1], [0], [0], [1], [0, 0, 1, 1], [], []>, transpose_lhs_hint = false} : vector<8x512xf32>, vector<512x512xf32>, vector<8x512xf32> -> vector<8x512xf32>
        %slice3A_467 = vector.extract_strided_slice %dot_general3A_466 {offsets = [0, 0], sizes = [1, 512], strides = [1, 1]} : vector<8x512xf32> to vector<1x512xf32>
        %multiple_of3A_468 = tpu.assume_multiple %mul3A_383, 512 : i32
        %get3A_469 = arith.constant 0 : index
        %get3A_470 = arith.index_cast %multiple_of3A_468 : i32 to index
        %get3A_471 = vector.load %arg5[%get3A_469, %get3A_470] : memref<1x5120xf32, #tpu.memory_space<vmem>>, vector<1x512xf32>
        %gt3A_472 = arith.constant 0.000000e+00 : f32
        %gt3A_473 = vector.broadcast %gt3A_472 : f32 to vector<1x512xf32>
        %gt3A_474 = arith.cmpf ogt, %slice3A_467, %gt3A_473 : vector<1x512xf32>
        %convert_element_type3A_475 = arith.extui %gt3A_474 : vector<1x512xi1> to vector<1x512xi32>
        %convert_element_type3A_476 = arith.sitofp %convert_element_type3A_475 : vector<1x512xi32> to vector<1x512xf32>
        %max3A_477 = arith.maximumf %get3A_471, %convert_element_type3A_476 : vector<1x512xf32>
        %multiple_of3A_478 = tpu.assume_multiple %mul3A_383, 512 : i32
        %swap3A_479 = arith.constant 0 : index
        %swap3A_480 = arith.index_cast %multiple_of3A_478 : i32 to index
        %swap3A_481 = vector.load %arg5[%swap3A_479, %swap3A_480] : memref<1x5120xf32, #tpu.memory_space<vmem>>, vector<1x512xf32>
        tpu.vector_store %arg5[%swap3A_479, %swap3A_480], %max3A_477 {strides = array<i32>} : memref<1x5120xf32, #tpu.memory_space<vmem>>, vector<1x512xf32>,
      }
    }
    %while3A_129 = arith.constant 1 : i32
    scf.for %while3A_246 = %while3A_127 to %while3A_123 step %while3A_129  : i32 {
      %mul3A_247 = arith.constant 512 : i32
      %mul3A_248 = arith.muli %while3A_246, %mul3A_247 : i32
      %multiple_of3A = tpu.assume_multiple %mul3A_248, 512 : i32
      %get3A_249 = arith.constant 0 : index
      %get3A_250 = arith.index_cast %multiple_of3A : i32 to index
      %get3A_251 = arith.constant 0 : index
      %get3A_252 = vector.load %arg1[%get3A_249, %get3A_250, %get3A_251] : memref<1x5120x8xf32, #tpu.memory_space<vmem>>, vector<1x512x8xf32>
      %get3A_253 = vector.shape_cast %get3A_252 : vector<1x512x8xf32> to vector<512x8xf32>
      %slice3A_254 = vector.extract_strided_slice %get3A_253 {offsets = [0, 0], sizes = [512, 1], strides = [1, 1]} : vector<512x8xf32> to vector<512x1xf32>
      %slice3A_255 = vector.extract_strided_slice %get3A_253 {offsets = [0, 1], sizes = [512, 1], strides = [1, 1]} : vector<512x8xf32> to vector<512x1xf32>
      %slice3A_256 = vector.extract_strided_slice %get3A_253 {offsets = [0, 2], sizes = [512, 1], strides = [1, 1]} : vector<512x8xf32> to vector<512x1xf32>
      %slice3A_257 = vector.extract_strided_slice %get3A_253 {offsets = [0, 3], sizes = [512, 1], strides = [1, 1]} : vector<512x8xf32> to vector<512x1xf32>
      %div3A_258 = arith.constant 2.000000e+00 : f32
      %div3A_259 = vector.broadcast %div3A_258 : f32 to vector<512x1xf32>
      %div3A_260 = arith.divf %slice3A_256, %div3A_259 : vector<512x1xf32>
      %sub3A_261 = arith.subf %slice3A_254, %div3A_260 : vector<512x1xf32>
      %div3A_262 = arith.constant 2.000000e+00 : f32
      %div3A_263 = vector.broadcast %div3A_262 : f32 to vector<512x1xf32>
      %div3A_264 = arith.divf %slice3A_257, %div3A_263 : vector<512x1xf32>
      %sub3A_265 = arith.subf %slice3A_255, %div3A_264 : vector<512x1xf32>
      %div3A_266 = arith.constant 2.000000e+00 : f32
      %div3A_267 = vector.broadcast %div3A_266 : f32 to vector<512x1xf32>
      %div3A_268 = arith.divf %slice3A_256, %div3A_267 : vector<512x1xf32>
      %add3A_269 = arith.addf %slice3A_254, %div3A_268 : vector<512x1xf32>
      %div3A_270 = arith.constant 2.000000e+00 : f32
      %div3A_271 = vector.broadcast %div3A_270 : f32 to vector<512x1xf32>
      %div3A_272 = arith.divf %slice3A_257, %div3A_271 : vector<512x1xf32>
      %add3A_273 = arith.addf %slice3A_255, %div3A_272 : vector<512x1xf32>
      %slice3A_274 = vector.extract_strided_slice %get3A_253 {offsets = [0, 6], sizes = [512, 1], strides = [1, 1]} : vector<512x8xf32> to vector<512x1xf32>
      %multiple_of3A_275 = tpu.assume_multiple %mul3A_248, 512 : i32
      %get3A_276 = arith.constant 0 : index
      %get3A_277 = arith.index_cast %multiple_of3A_275 : i32 to index
      %get3A_278 = vector.load %arg3[%get3A_276, %get3A_277] : memref<8x5120xf32, #tpu.memory_space<vmem>>, vector<8x512xf32>
      %slice3A_279 = vector.extract_strided_slice %get3A_278 {offsets = [0, 0], sizes = [1, 512], strides = [1, 1]} : vector<8x512xf32> to vector<1x512xf32>
      %slice3A_280 = vector.extract_strided_slice %get3A_278 {offsets = [1, 0], sizes = [1, 512], strides = [1, 1]} : vector<8x512xf32> to vector<1x512xf32>
      %slice3A_281 = vector.extract_strided_slice %get3A_278 {offsets = [2, 0], sizes = [1, 512], strides = [1, 1]} : vector<8x512xf32> to vector<1x512xf32>
      %slice3A_282 = vector.extract_strided_slice %get3A_278 {offsets = [3, 0], sizes = [1, 512], strides = [1, 1]} : vector<8x512xf32> to vector<1x512xf32>
      %div3A_283 = arith.constant 2.000000e+00 : f32
      %div3A_284 = vector.broadcast %div3A_283 : f32 to vector<1x512xf32>
      %div3A_285 = arith.divf %slice3A_281, %div3A_284 : vector<1x512xf32>
      %sub3A_286 = arith.subf %slice3A_279, %div3A_285 : vector<1x512xf32>
      %div3A_287 = arith.constant 2.000000e+00 : f32
      %div3A_288 = vector.broadcast %div3A_287 : f32 to vector<1x512xf32>
      %div3A_289 = arith.divf %slice3A_282, %div3A_288 : vector<1x512xf32>
      %sub3A_290 = arith.subf %slice3A_280, %div3A_289 : vector<1x512xf32>
      %div3A_291 = arith.constant 2.000000e+00 : f32
      %div3A_292 = vector.broadcast %div3A_291 : f32 to vector<1x512xf32>
      %div3A_293 = arith.divf %slice3A_281, %div3A_292 : vector<1x512xf32>
      %add3A_294 = arith.addf %slice3A_279, %div3A_293 : vector<1x512xf32>
      %div3A_295 = arith.constant 2.000000e+00 : f32
      %div3A_296 = vector.broadcast %div3A_295 : f32 to vector<1x512xf32>
      %div3A_297 = arith.divf %slice3A_282, %div3A_296 : vector<1x512xf32>
      %add3A_298 = arith.addf %slice3A_280, %div3A_297 : vector<1x512xf32>
      %slice3A_299 = vector.extract_strided_slice %get3A_278 {offsets = [6, 0], sizes = [1, 512], strides = [1, 1]} : vector<8x512xf32> to vector<1x512xf32>
      %slice3A_300 = vector.extract_strided_slice %get3A_278 {offsets = [7, 0], sizes = [1, 512], strides = [1, 1]} : vector<8x512xf32> to vector<1x512xf32>
      %max3A = vector.broadcast %sub3A_261 : vector<512x1xf32> to vector<512x512xf32>
      %max3A_301 = vector.broadcast %sub3A_286 : vector<1x512xf32> to vector<512x512xf32>
      %max3A_302 = arith.maximumf %max3A, %max3A_301 : vector<512x512xf32>
      %max3A_303 = vector.broadcast %sub3A_265 : vector<512x1xf32> to vector<512x512xf32>
      %max3A_304 = vector.broadcast %sub3A_290 : vector<1x512xf32> to vector<512x512xf32>
      %max3A_305 = arith.maximumf %max3A_303, %max3A_304 : vector<512x512xf32>
      %min3A = vector.broadcast %add3A_269 : vector<512x1xf32> to vector<512x512xf32>
      %min3A_306 = vector.broadcast %add3A_294 : vector<1x512xf32> to vector<512x512xf32>
      %min3A_307 = arith.minimumf %min3A, %min3A_306 : vector<512x512xf32>
      %min3A_308 = vector.broadcast %add3A_273 : vector<512x1xf32> to vector<512x512xf32>
      %min3A_309 = vector.broadcast %add3A_298 : vector<1x512xf32> to vector<512x512xf32>
      %min3A_310 = arith.minimumf %min3A_308, %min3A_309 : vector<512x512xf32>
      %sub3A_311 = arith.subf %min3A_307, %max3A_302 : vector<512x512xf32>
      %jit3A_312 = arith.constant 0.000000e+00 : f32
      %max3A_313 = vector.broadcast %jit3A_312 : f32 to vector<512x512xf32>
      %max3A_314 = arith.maximumf %max3A_313, %sub3A_311 : vector<512x512xf32>
      %sub3A_315 = arith.subf %min3A_310, %max3A_305 : vector<512x512xf32>
      %jit3A_316 = arith.constant 0.000000e+00 : f32
      %max3A_317 = vector.broadcast %jit3A_316 : f32 to vector<512x512xf32>
      %max3A_318 = arith.maximumf %max3A_317, %sub3A_315 : vector<512x512xf32>
      %mul3A_319 = arith.mulf %max3A_314, %max3A_318 : vector<512x512xf32>
      %sub3A_320 = arith.subf %add3A_269, %sub3A_261 : vector<512x1xf32>
      %jit3A_321 = arith.constant 0.000000e+00 : f32
      %max3A_322 = vector.broadcast %jit3A_321 : f32 to vector<512x1xf32>
      %max3A_323 = arith.maximumf %max3A_322, %sub3A_320 : vector<512x1xf32>
      %sub3A_324 = arith.subf %add3A_273, %sub3A_265 : vector<512x1xf32>
      %jit3A_325 = arith.constant 0.000000e+00 : f32
      %max3A_326 = vector.broadcast %jit3A_325 : f32 to vector<512x1xf32>
      %max3A_327 = arith.maximumf %max3A_326, %sub3A_324 : vector<512x1xf32>
      %mul3A_328 = arith.mulf %max3A_323, %max3A_327 : vector<512x1xf32>
      %sub3A_329 = arith.subf %add3A_294, %sub3A_286 : vector<1x512xf32>
      %jit3A_330 = arith.constant 0.000000e+00 : f32
      %max3A_331 = vector.broadcast %jit3A_330 : f32 to vector<1x512xf32>
      %max3A_332 = arith.maximumf %max3A_331, %sub3A_329 : vector<1x512xf32>
      %sub3A_333 = arith.subf %add3A_298, %sub3A_290 : vector<1x512xf32>
      %jit3A_334 = arith.constant 0.000000e+00 : f32
      %max3A_335 = vector.broadcast %jit3A_334 : f32 to vector<1x512xf32>
      %max3A_336 = arith.maximumf %max3A_335, %sub3A_333 : vector<1x512xf32>
      %mul3A_337 = arith.mulf %max3A_332, %max3A_336 : vector<1x512xf32>
      %add3A_338 = vector.broadcast %mul3A_328 : vector<512x1xf32> to vector<512x512xf32>
      %add3A_339 = vector.broadcast %mul3A_337 : vector<1x512xf32> to vector<512x512xf32>
      %add3A_340 = arith.addf %add3A_338, %add3A_339 : vector<512x512xf32>
      %sub3A_341 = arith.subf %add3A_340, %mul3A_319 : vector<512x512xf32>
      %add3A_342 = arith.constant 9.99999971E-10 : f32
      %add3A_343 = vector.broadcast %add3A_342 : f32 to vector<512x512xf32>
      %add3A_344 = arith.addf %sub3A_341, %add3A_343 : vector<512x512xf32>
      %div3A_345 = arith.divf %mul3A_319, %add3A_344 : vector<512x512xf32>
      %gt3A = arith.constant 4.500000e-01 : f32
      %gt3A_346 = vector.broadcast %gt3A : f32 to vector<512x512xf32>
      %gt3A_347 = arith.cmpf ogt, %div3A_345, %gt3A_346 : vector<512x512xf32>
      %eq3A = vector.broadcast %slice3A_274 : vector<512x1xf32> to vector<512x512xf32>
      %eq3A_348 = vector.broadcast %slice3A_299 : vector<1x512xf32> to vector<512x512xf32>
      %eq3A_349 = arith.cmpf oeq, %eq3A, %eq3A_348 : vector<512x512xf32>
      %and3A_350 = arith.andi %gt3A_347, %eq3A_349 : vector<512x512xi1>
      %and3A_351 = arith.andi %and3A_350, %lt3A : vector<512x512xi1>
      %convert_element_type3A_352 = arith.extui %and3A_351 : vector<512x512xi1> to vector<512x512xi32>
      %convert_element_type3A_353 = arith.sitofp %convert_element_type3A_352 : vector<512x512xi32> to vector<512x512xf32>
      %multiple_of3A_354 = tpu.assume_multiple %mul3A_248, 512 : i32
      %get3A_355 = arith.constant 0 : index
      %get3A_356 = arith.index_cast %multiple_of3A_354 : i32 to index
      %get3A_357 = vector.load %arg5[%get3A_355, %get3A_356] : memref<1x5120xf32, #tpu.memory_space<vmem>>, vector<1x512xf32>
      %sub3A_358 = arith.constant 1.000000e+00 : f32
      %sub3A_359 = vector.broadcast %sub3A_358 : f32 to vector<1x512xf32>
      %sub3A_360 = arith.subf %sub3A_359, %get3A_357 : vector<1x512xf32>
      %mul3A_361 = arith.mulf %slice3A_300, %sub3A_360 : vector<1x512xf32>
      %while3A_362 = arith.constant true
      %while3A_363:2 = scf.while (%while3A_381 = %mul3A_361, %while3A_382 = %while3A_362) : (vector<1x512xf32>, i1) -> (vector<1x512xf32>, i1) {
        scf.condition(%while3A_382) %while3A_381, %while3A_382 : vector<1x512xf32>, i1
      } do {
      ^bb0(%while3A_381: vector<1x512xf32>, %while3A_382: i1):
        %broadcast_in_dim3A_383 = vector.shape_cast %while3A_381 : vector<1x512xf32> to vector<1x512xf32>
        %broadcast_in_dim3A_384 = vector.broadcast %broadcast_in_dim3A_383 : vector<1x512xf32> to vector<8x512xf32>
        %dot_general3A = arith.constant dense<0.000000e+00> : vector<8x512xf32>
        %dot_general3A_385 = tpu.matmul %broadcast_in_dim3A_384, %convert_element_type3A_353, %dot_general3A {dimension_numbers = #tpu.dot_dimension_numbers<[1], [0], [0], [1], [0, 0, 1, 1], [], []>, transpose_lhs_hint = false} : vector<8x512xf32>, vector<512x512xf32>, vector<8x512xf32> -> vector<8x512xf32>
        %slice3A_386 = vector.extract_strided_slice %dot_general3A_385 {offsets = [0, 0], sizes = [1, 512], strides = [1, 1]} : vector<8x512xf32> to vector<1x512xf32>
        %gt3A_387 = arith.constant 0.000000e+00 : f32
        %gt3A_388 = vector.broadcast %gt3A_387 : f32 to vector<1x512xf32>
        %gt3A_389 = arith.cmpf ogt, %slice3A_386, %gt3A_388 : vector<1x512xf32>
        %convert_element_type3A_390 = arith.extui %gt3A_389 : vector<1x512xi1> to vector<1x512xi32>
        %convert_element_type3A_391 = arith.sitofp %convert_element_type3A_390 : vector<1x512xi32> to vector<1x512xf32>
        %sub3A_392 = arith.constant 1.000000e+00 : f32
        %sub3A_393 = vector.broadcast %sub3A_392 : f32 to vector<1x512xf32>
        %sub3A_394 = arith.subf %sub3A_393, %convert_element_type3A_391 : vector<1x512xf32>
        %mul3A_395 = arith.mulf %mul3A_361, %sub3A_394 : vector<1x512xf32>
        %ne3A_396 = arith.cmpf one, %mul3A_395, %while3A_381 : vector<1x512xf32>
        %reduce_or3A = arith.constant 1.000000e+00 : f32
        %reduce_or3A_397 = arith.constant 0.000000e+00 : f32
        %reduce_or3A_398 = vector.broadcast %reduce_or3A : f32 to vector<1x512xf32>
        %reduce_or3A_399 = vector.broadcast %reduce_or3A_397 : f32 to vector<1x512xf32>
        %reduce_or3A_400 = arith.select %ne3A_396, %reduce_or3A_398, %reduce_or3A_399 : vector<1x512xi1>, vector<1x512xf32>
        %reduce_or3A_401 = vector.shape_cast %reduce_or3A_400 : vector<1x512xf32> to vector<1x1x512xf32>
        %reduce_or3A_402 = arith.constant dense<0xFF800000> : vector<1xf32>
        %reduce_or3A_403 = vector.multi_reduction <maximumf>, %reduce_or3A_401, %reduce_or3A_402 [1, 2] : vector<1x1x512xf32> to vector<1xf32>
        %reduce_or3A_404 = vector.shape_cast %reduce_or3A_403 : vector<1xf32> to vector<1x1x1xf32>
        %reduce_or3A_405 = vector.extract %reduce_or3A_404[0, 0, 0] : f32 from vector<1x1x1xf32>
        %reduce_or3A_406 = arith.constant 0.000000e+00 : f32
        %reduce_or3A_407 = arith.cmpf ogt, %reduce_or3A_405, %reduce_or3A_406 : f32
        scf.yield %mul3A_395, %reduce_or3A_407 : vector<1x512xf32>, i1
      }
      %multiple_of3A_364 = tpu.assume_multiple %mul3A_248, 512 : i32
      %swap3A_365 = arith.constant 0 : index
      %swap3A_366 = arith.index_cast %multiple_of3A_364 : i32 to index
      %swap3A_367 = vector.load %arg4[%swap3A_365, %swap3A_366] : memref<1x5120xf32, #tpu.memory_space<vmem>>, vector<1x512xf32>
      tpu.vector_store %arg4[%swap3A_365, %swap3A_366], %while3A_363#0 {strides = array<i32>} : memref<1x5120xf32, #tpu.memory_space<vmem>>, vector<1x512xf32>,
      %broadcast_in_dim3A_368 = vector.shape_cast %while3A_363#0 : vector<1x512xf32> to vector<1x512xf32>
      %broadcast_in_dim3A_369 = vector.broadcast %broadcast_in_dim3A_368 : vector<1x512xf32> to vector<8x512xf32>
      %add3A_370 = arith.constant 1 : i32
      %add3A_371 = arith.addi %while3A_246, %add3A_370 : i32
      %while3A_372 = arith.constant 0 : i32
      %while3A_373 = arith.subi %select_n3A, %add3A_371 : i32
      %while3A_374 = arith.addi %add3A_371, %while3A_373 : i32
      %while3A_375 = arith.constant 1 : i32
      %while3A_376 = arith.divsi %while3A_373, %while3A_375 : i32
      %while3A_377 = arith.muli %while3A_376, %while3A_375 : i32
      %while3A_378 = arith.addi %add3A_371, %while3A_377 : i32
      %while3A_379 = arith.constant 1 : i32
      scf.for %while3A_381 = %add3A_371 to %while3A_378 step %while3A_379  : i32 {
        %mul3A_382 = arith.constant 512 : i32
        %mul3A_383 = arith.muli %while3A_381, %mul3A_382 : i32
        %multiple_of3A_384 = tpu.assume_multiple %mul3A_383, 512 : i32
        %get3A_385 = arith.constant 0 : index
        %get3A_386 = arith.index_cast %multiple_of3A_384 : i32 to index
        %get3A_387 = vector.load %arg3[%get3A_385, %get3A_386] : memref<8x5120xf32, #tpu.memory_space<vmem>>, vector<8x512xf32>
        %slice3A_388 = vector.extract_strided_slice %get3A_387 {offsets = [0, 0], sizes = [1, 512], strides = [1, 1]} : vector<8x512xf32> to vector<1x512xf32>
        %slice3A_389 = vector.extract_strided_slice %get3A_387 {offsets = [1, 0], sizes = [1, 512], strides = [1, 1]} : vector<8x512xf32> to vector<1x512xf32>
        %slice3A_390 = vector.extract_strided_slice %get3A_387 {offsets = [2, 0], sizes = [1, 512], strides = [1, 1]} : vector<8x512xf32> to vector<1x512xf32>
        %slice3A_391 = vector.extract_strided_slice %get3A_387 {offsets = [3, 0], sizes = [1, 512], strides = [1, 1]} : vector<8x512xf32> to vector<1x512xf32>
        %div3A_392 = arith.constant 2.000000e+00 : f32
        %div3A_393 = vector.broadcast %div3A_392 : f32 to vector<1x512xf32>
        %div3A_394 = arith.divf %slice3A_390, %div3A_393 : vector<1x512xf32>
        %sub3A_395 = arith.subf %slice3A_388, %div3A_394 : vector<1x512xf32>
        %div3A_396 = arith.constant 2.000000e+00 : f32
        %div3A_397 = vector.broadcast %div3A_396 : f32 to vector<1x512xf32>
        %div3A_398 = arith.divf %slice3A_391, %div3A_397 : vector<1x512xf32>
        %sub3A_399 = arith.subf %slice3A_389, %div3A_398 : vector<1x512xf32>
        %div3A_400 = arith.constant 2.000000e+00 : f32
        %div3A_401 = vector.broadcast %div3A_400 : f32 to vector<1x512xf32>
        %div3A_402 = arith.divf %slice3A_390, %div3A_401 : vector<1x512xf32>
        %add3A_403 = arith.addf %slice3A_388, %div3A_402 : vector<1x512xf32>
        %div3A_404 = arith.constant 2.000000e+00 : f32
        %div3A_405 = vector.broadcast %div3A_404 : f32 to vector<1x512xf32>
        %div3A_406 = arith.divf %slice3A_391, %div3A_405 : vector<1x512xf32>
        %add3A_407 = arith.addf %slice3A_389, %div3A_406 : vector<1x512xf32>
        %slice3A_408 = vector.extract_strided_slice %get3A_387 {offsets = [6, 0], sizes = [1, 512], strides = [1, 1]} : vector<8x512xf32> to vector<1x512xf32>
        %slice3A_409 = vector.extract_strided_slice %get3A_387 {offsets = [7, 0], sizes = [1, 512], strides = [1, 1]} : vector<8x512xf32> to vector<1x512xf32>
        %max3A_410 = vector.broadcast %sub3A_261 : vector<512x1xf32> to vector<512x512xf32>
        %max3A_411 = vector.broadcast %sub3A_395 : vector<1x512xf32> to vector<512x512xf32>
        %max3A_412 = arith.maximumf %max3A_410, %max3A_411 : vector<512x512xf32>
        %max3A_413 = vector.broadcast %sub3A_265 : vector<512x1xf32> to vector<512x512xf32>
        %max3A_414 = vector.broadcast %sub3A_399 : vector<1x512xf32> to vector<512x512xf32>
        %max3A_415 = arith.maximumf %max3A_413, %max3A_414 : vector<512x512xf32>
        %min3A_416 = vector.broadcast %add3A_269 : vector<512x1xf32> to vector<512x512xf32>
        %min3A_417 = vector.broadcast %add3A_403 : vector<1x512xf32> to vector<512x512xf32>
        %min3A_418 = arith.minimumf %min3A_416, %min3A_417 : vector<512x512xf32>
        %min3A_419 = vector.broadcast %add3A_273 : vector<512x1xf32> to vector<512x512xf32>
        %min3A_420 = vector.broadcast %add3A_407 : vector<1x512xf32> to vector<512x512xf32>
        %min3A_421 = arith.minimumf %min3A_419, %min3A_420 : vector<512x512xf32>
        %sub3A_422 = arith.subf %min3A_418, %max3A_412 : vector<512x512xf32>
        %jit3A_423 = arith.constant 0.000000e+00 : f32
        %max3A_424 = vector.broadcast %jit3A_423 : f32 to vector<512x512xf32>
        %max3A_425 = arith.maximumf %max3A_424, %sub3A_422 : vector<512x512xf32>
        %sub3A_426 = arith.subf %min3A_421, %max3A_415 : vector<512x512xf32>
        %jit3A_427 = arith.constant 0.000000e+00 : f32
        %max3A_428 = vector.broadcast %jit3A_427 : f32 to vector<512x512xf32>
        %max3A_429 = arith.maximumf %max3A_428, %sub3A_426 : vector<512x512xf32>
        %mul3A_430 = arith.mulf %max3A_425, %max3A_429 : vector<512x512xf32>
        %sub3A_431 = arith.subf %add3A_269, %sub3A_261 : vector<512x1xf32>
        %jit3A_432 = arith.constant 0.000000e+00 : f32
        %max3A_433 = vector.broadcast %jit3A_432 : f32 to vector<512x1xf32>
        %max3A_434 = arith.maximumf %max3A_433, %sub3A_431 : vector<512x1xf32>
        %sub3A_435 = arith.subf %add3A_273, %sub3A_265 : vector<512x1xf32>
        %jit3A_436 = arith.constant 0.000000e+00 : f32
        %max3A_437 = vector.broadcast %jit3A_436 : f32 to vector<512x1xf32>
        %max3A_438 = arith.maximumf %max3A_437, %sub3A_435 : vector<512x1xf32>
        %mul3A_439 = arith.mulf %max3A_434, %max3A_438 : vector<512x1xf32>
        %sub3A_440 = arith.subf %add3A_403, %sub3A_395 : vector<1x512xf32>
        %jit3A_441 = arith.constant 0.000000e+00 : f32
        %max3A_442 = vector.broadcast %jit3A_441 : f32 to vector<1x512xf32>
        %max3A_443 = arith.maximumf %max3A_442, %sub3A_440 : vector<1x512xf32>
        %sub3A_444 = arith.subf %add3A_407, %sub3A_399 : vector<1x512xf32>
        %jit3A_445 = arith.constant 0.000000e+00 : f32
        %max3A_446 = vector.broadcast %jit3A_445 : f32 to vector<1x512xf32>
        %max3A_447 = arith.maximumf %max3A_446, %sub3A_444 : vector<1x512xf32>
        %mul3A_448 = arith.mulf %max3A_443, %max3A_447 : vector<1x512xf32>
        %add3A_449 = vector.broadcast %mul3A_439 : vector<512x1xf32> to vector<512x512xf32>
        %add3A_450 = vector.broadcast %mul3A_448 : vector<1x512xf32> to vector<512x512xf32>
        %add3A_451 = arith.addf %add3A_449, %add3A_450 : vector<512x512xf32>
        %sub3A_452 = arith.subf %add3A_451, %mul3A_430 : vector<512x512xf32>
        %add3A_453 = arith.constant 9.99999971E-10 : f32
        %add3A_454 = vector.broadcast %add3A_453 : f32 to vector<512x512xf32>
        %add3A_455 = arith.addf %sub3A_452, %add3A_454 : vector<512x512xf32>
        %div3A_456 = arith.divf %mul3A_430, %add3A_455 : vector<512x512xf32>
        %gt3A_457 = arith.constant 4.500000e-01 : f32
        %gt3A_458 = vector.broadcast %gt3A_457 : f32 to vector<512x512xf32>
        %gt3A_459 = arith.cmpf ogt, %div3A_456, %gt3A_458 : vector<512x512xf32>
        %eq3A_460 = vector.broadcast %slice3A_274 : vector<512x1xf32> to vector<512x512xf32>
        %eq3A_461 = vector.broadcast %slice3A_408 : vector<1x512xf32> to vector<512x512xf32>
        %eq3A_462 = arith.cmpf oeq, %eq3A_460, %eq3A_461 : vector<512x512xf32>
        %and3A_463 = arith.andi %gt3A_459, %eq3A_462 : vector<512x512xi1>
        %convert_element_type3A_464 = arith.extui %and3A_463 : vector<512x512xi1> to vector<512x512xi32>
        %convert_element_type3A_465 = arith.sitofp %convert_element_type3A_464 : vector<512x512xi32> to vector<512x512xf32>
        %dot_general3A = arith.constant dense<0.000000e+00> : vector<8x512xf32>
        %dot_general3A_466 = tpu.matmul %broadcast_in_dim3A_369, %convert_element_type3A_465, %dot_general3A {dimension_numbers = #tpu.dot_dimension_numbers<[1], [0], [0], [1], [0, 0, 1, 1], [], []>, transpose_lhs_hint = false} : vector<8x512xf32>, vector<512x512xf32>, vector<8x512xf32> -> vector<8x512xf32>
        %slice3A_467 = vector.extract_strided_slice %dot_general3A_466 {offsets = [0, 0], sizes = [1, 512], strides = [1, 1]} : vector<8x512xf32> to vector<1x512xf32>
        %multiple_of3A_468 = tpu.assume_multiple %mul3A_383, 512 : i32
        %get3A_469 = arith.constant 0 : index
        %get3A_470 = arith.index_cast %multiple_of3A_468 : i32 to index
        %get3A_471 = vector.load %arg5[%get3A_469, %get3A_470] : memref<1x5120xf32, #tpu.memory_space<vmem>>, vector<1x512xf32>
        %gt3A_472 = arith.constant 0.000000e+00 : f32
        %gt3A_473 = vector.broadcast %gt3A_472 : f32 to vector<1x512xf32>
        %gt3A_474 = arith.cmpf ogt, %slice3A_467, %gt3A_473 : vector<1x512xf32>
        %convert_element_type3A_475 = arith.extui %gt3A_474 : vector<1x512xi1> to vector<1x512xi32>
        %convert_element_type3A_476 = arith.sitofp %convert_element_type3A_475 : vector<1x512xi32> to vector<1x512xf32>
        %max3A_477 = arith.maximumf %get3A_471, %convert_element_type3A_476 : vector<1x512xf32>
        %multiple_of3A_478 = tpu.assume_multiple %mul3A_383, 512 : i32
        %swap3A_479 = arith.constant 0 : index
        %swap3A_480 = arith.index_cast %multiple_of3A_478 : i32 to index
        %swap3A_481 = vector.load %arg5[%swap3A_479, %swap3A_480] : memref<1x5120xf32, #tpu.memory_space<vmem>>, vector<1x512xf32>
        tpu.vector_store %arg5[%swap3A_479, %swap3A_480], %max3A_477 {strides = array<i32>} : memref<1x5120xf32, #tpu.memory_space<vmem>>, vector<1x512xf32>,
      }
      %while3A_380 = arith.constant 1 : i32
      scf.for %while3A_381 = %while3A_378 to %while3A_374 step %while3A_380  : i32 {
        %mul3A_382 = arith.constant 512 : i32
        %mul3A_383 = arith.muli %while3A_381, %mul3A_382 : i32
        %multiple_of3A_384 = tpu.assume_multiple %mul3A_383, 512 : i32
        %get3A_385 = arith.constant 0 : index
        %get3A_386 = arith.index_cast %multiple_of3A_384 : i32 to index
        %get3A_387 = vector.load %arg3[%get3A_385, %get3A_386] : memref<8x5120xf32, #tpu.memory_space<vmem>>, vector<8x512xf32>
        %slice3A_388 = vector.extract_strided_slice %get3A_387 {offsets = [0, 0], sizes = [1, 512], strides = [1, 1]} : vector<8x512xf32> to vector<1x512xf32>
        %slice3A_389 = vector.extract_strided_slice %get3A_387 {offsets = [1, 0], sizes = [1, 512], strides = [1, 1]} : vector<8x512xf32> to vector<1x512xf32>
        %slice3A_390 = vector.extract_strided_slice %get3A_387 {offsets = [2, 0], sizes = [1, 512], strides = [1, 1]} : vector<8x512xf32> to vector<1x512xf32>
        %slice3A_391 = vector.extract_strided_slice %get3A_387 {offsets = [3, 0], sizes = [1, 512], strides = [1, 1]} : vector<8x512xf32> to vector<1x512xf32>
        %div3A_392 = arith.constant 2.000000e+00 : f32
        %div3A_393 = vector.broadcast %div3A_392 : f32 to vector<1x512xf32>
        %div3A_394 = arith.divf %slice3A_390, %div3A_393 : vector<1x512xf32>
        %sub3A_395 = arith.subf %slice3A_388, %div3A_394 : vector<1x512xf32>
        %div3A_396 = arith.constant 2.000000e+00 : f32
        %div3A_397 = vector.broadcast %div3A_396 : f32 to vector<1x512xf32>
        %div3A_398 = arith.divf %slice3A_391, %div3A_397 : vector<1x512xf32>
        %sub3A_399 = arith.subf %slice3A_389, %div3A_398 : vector<1x512xf32>
        %div3A_400 = arith.constant 2.000000e+00 : f32
        %div3A_401 = vector.broadcast %div3A_400 : f32 to vector<1x512xf32>
        %div3A_402 = arith.divf %slice3A_390, %div3A_401 : vector<1x512xf32>
        %add3A_403 = arith.addf %slice3A_388, %div3A_402 : vector<1x512xf32>
        %div3A_404 = arith.constant 2.000000e+00 : f32
        %div3A_405 = vector.broadcast %div3A_404 : f32 to vector<1x512xf32>
        %div3A_406 = arith.divf %slice3A_391, %div3A_405 : vector<1x512xf32>
        %add3A_407 = arith.addf %slice3A_389, %div3A_406 : vector<1x512xf32>
        %slice3A_408 = vector.extract_strided_slice %get3A_387 {offsets = [6, 0], sizes = [1, 512], strides = [1, 1]} : vector<8x512xf32> to vector<1x512xf32>
        %slice3A_409 = vector.extract_strided_slice %get3A_387 {offsets = [7, 0], sizes = [1, 512], strides = [1, 1]} : vector<8x512xf32> to vector<1x512xf32>
        %max3A_410 = vector.broadcast %sub3A_261 : vector<512x1xf32> to vector<512x512xf32>
        %max3A_411 = vector.broadcast %sub3A_395 : vector<1x512xf32> to vector<512x512xf32>
        %max3A_412 = arith.maximumf %max3A_410, %max3A_411 : vector<512x512xf32>
        %max3A_413 = vector.broadcast %sub3A_265 : vector<512x1xf32> to vector<512x512xf32>
        %max3A_414 = vector.broadcast %sub3A_399 : vector<1x512xf32> to vector<512x512xf32>
        %max3A_415 = arith.maximumf %max3A_413, %max3A_414 : vector<512x512xf32>
        %min3A_416 = vector.broadcast %add3A_269 : vector<512x1xf32> to vector<512x512xf32>
        %min3A_417 = vector.broadcast %add3A_403 : vector<1x512xf32> to vector<512x512xf32>
        %min3A_418 = arith.minimumf %min3A_416, %min3A_417 : vector<512x512xf32>
        %min3A_419 = vector.broadcast %add3A_273 : vector<512x1xf32> to vector<512x512xf32>
        %min3A_420 = vector.broadcast %add3A_407 : vector<1x512xf32> to vector<512x512xf32>
        %min3A_421 = arith.minimumf %min3A_419, %min3A_420 : vector<512x512xf32>
        %sub3A_422 = arith.subf %min3A_418, %max3A_412 : vector<512x512xf32>
        %jit3A_423 = arith.constant 0.000000e+00 : f32
        %max3A_424 = vector.broadcast %jit3A_423 : f32 to vector<512x512xf32>
        %max3A_425 = arith.maximumf %max3A_424, %sub3A_422 : vector<512x512xf32>
        %sub3A_426 = arith.subf %min3A_421, %max3A_415 : vector<512x512xf32>
        %jit3A_427 = arith.constant 0.000000e+00 : f32
        %max3A_428 = vector.broadcast %jit3A_427 : f32 to vector<512x512xf32>
        %max3A_429 = arith.maximumf %max3A_428, %sub3A_426 : vector<512x512xf32>
        %mul3A_430 = arith.mulf %max3A_425, %max3A_429 : vector<512x512xf32>
        %sub3A_431 = arith.subf %add3A_269, %sub3A_261 : vector<512x1xf32>
        %jit3A_432 = arith.constant 0.000000e+00 : f32
        %max3A_433 = vector.broadcast %jit3A_432 : f32 to vector<512x1xf32>
        %max3A_434 = arith.maximumf %max3A_433, %sub3A_431 : vector<512x1xf32>
        %sub3A_435 = arith.subf %add3A_273, %sub3A_265 : vector<512x1xf32>
        %jit3A_436 = arith.constant 0.000000e+00 : f32
        %max3A_437 = vector.broadcast %jit3A_436 : f32 to vector<512x1xf32>
        %max3A_438 = arith.maximumf %max3A_437, %sub3A_435 : vector<512x1xf32>
        %mul3A_439 = arith.mulf %max3A_434, %max3A_438 : vector<512x1xf32>
        %sub3A_440 = arith.subf %add3A_403, %sub3A_395 : vector<1x512xf32>
        %jit3A_441 = arith.constant 0.000000e+00 : f32
        %max3A_442 = vector.broadcast %jit3A_441 : f32 to vector<1x512xf32>
        %max3A_443 = arith.maximumf %max3A_442, %sub3A_440 : vector<1x512xf32>
        %sub3A_444 = arith.subf %add3A_407, %sub3A_399 : vector<1x512xf32>
        %jit3A_445 = arith.constant 0.000000e+00 : f32
        %max3A_446 = vector.broadcast %jit3A_445 : f32 to vector<1x512xf32>
        %max3A_447 = arith.maximumf %max3A_446, %sub3A_444 : vector<1x512xf32>
        %mul3A_448 = arith.mulf %max3A_443, %max3A_447 : vector<1x512xf32>
        %add3A_449 = vector.broadcast %mul3A_439 : vector<512x1xf32> to vector<512x512xf32>
        %add3A_450 = vector.broadcast %mul3A_448 : vector<1x512xf32> to vector<512x512xf32>
        %add3A_451 = arith.addf %add3A_449, %add3A_450 : vector<512x512xf32>
        %sub3A_452 = arith.subf %add3A_451, %mul3A_430 : vector<512x512xf32>
        %add3A_453 = arith.constant 9.99999971E-10 : f32
        %add3A_454 = vector.broadcast %add3A_453 : f32 to vector<512x512xf32>
        %add3A_455 = arith.addf %sub3A_452, %add3A_454 : vector<512x512xf32>
        %div3A_456 = arith.divf %mul3A_430, %add3A_455 : vector<512x512xf32>
        %gt3A_457 = arith.constant 4.500000e-01 : f32
        %gt3A_458 = vector.broadcast %gt3A_457 : f32 to vector<512x512xf32>
        %gt3A_459 = arith.cmpf ogt, %div3A_456, %gt3A_458 : vector<512x512xf32>
        %eq3A_460 = vector.broadcast %slice3A_274 : vector<512x1xf32> to vector<512x512xf32>
        %eq3A_461 = vector.broadcast %slice3A_408 : vector<1x512xf32> to vector<512x512xf32>
        %eq3A_462 = arith.cmpf oeq, %eq3A_460, %eq3A_461 : vector<512x512xf32>
        %and3A_463 = arith.andi %gt3A_459, %eq3A_462 : vector<512x512xi1>
        %convert_element_type3A_464 = arith.extui %and3A_463 : vector<512x512xi1> to vector<512x512xi32>
        %convert_element_type3A_465 = arith.sitofp %convert_element_type3A_464 : vector<512x512xi32> to vector<512x512xf32>
        %dot_general3A = arith.constant dense<0.000000e+00> : vector<8x512xf32>
        %dot_general3A_466 = tpu.matmul %broadcast_in_dim3A_369, %convert_element_type3A_465, %dot_general3A {dimension_numbers = #tpu.dot_dimension_numbers<[1], [0], [0], [1], [0, 0, 1, 1], [], []>, transpose_lhs_hint = false} : vector<8x512xf32>, vector<512x512xf32>, vector<8x512xf32> -> vector<8x512xf32>
        %slice3A_467 = vector.extract_strided_slice %dot_general3A_466 {offsets = [0, 0], sizes = [1, 512], strides = [1, 1]} : vector<8x512xf32> to vector<1x512xf32>
        %multiple_of3A_468 = tpu.assume_multiple %mul3A_383, 512 : i32
        %get3A_469 = arith.constant 0 : index
        %get3A_470 = arith.index_cast %multiple_of3A_468 : i32 to index
        %get3A_471 = vector.load %arg5[%get3A_469, %get3A_470] : memref<1x5120xf32, #tpu.memory_space<vmem>>, vector<1x512xf32>
        %gt3A_472 = arith.constant 0.000000e+00 : f32
        %gt3A_473 = vector.broadcast %gt3A_472 : f32 to vector<1x512xf32>
        %gt3A_474 = arith.cmpf ogt, %slice3A_467, %gt3A_473 : vector<1x512xf32>
        %convert_element_type3A_475 = arith.extui %gt3A_474 : vector<1x512xi1> to vector<1x512xi32>
        %convert_element_type3A_476 = arith.sitofp %convert_element_type3A_475 : vector<1x512xi32> to vector<1x512xf32>
        %max3A_477 = arith.maximumf %get3A_471, %convert_element_type3A_476 : vector<1x512xf32>
        %multiple_of3A_478 = tpu.assume_multiple %mul3A_383, 512 : i32
        %swap3A_479 = arith.constant 0 : index
        %swap3A_480 = arith.index_cast %multiple_of3A_478 : i32 to index
        %swap3A_481 = vector.load %arg5[%swap3A_479, %swap3A_480] : memref<1x5120xf32, #tpu.memory_space<vmem>>, vector<1x512xf32>
        tpu.vector_store %arg5[%swap3A_479, %swap3A_480], %max3A_477 {strides = array<i32>} : memref<1x5120xf32, #tpu.memory_space<vmem>>, vector<1x512xf32>,
      }
    }
    %get3A_130 = arith.constant 0 : index
    %get3A_131 = arith.constant 0 : index
    %get3A_132 = vector.load %arg4[%get3A_130, %get3A_131] : memref<1x5120xf32, #tpu.memory_space<vmem>>, vector<1x5120xf32>
    %get3A_133 = arith.constant 0 : index
    %get3A_134 = arith.constant 0 : index
    %get3A_135 = vector.load %arg3[%get3A_133, %get3A_134] : memref<8x5120xf32, #tpu.memory_space<vmem>>, vector<8x5120xf32>
    %slice3A = vector.extract_strided_slice %get3A_135 {offsets = [0, 0], sizes = [1, 5120], strides = [1, 1]} : vector<8x5120xf32> to vector<1x5120xf32>
    %slice3A_136 = vector.extract_strided_slice %get3A_135 {offsets = [1, 0], sizes = [1, 5120], strides = [1, 1]} : vector<8x5120xf32> to vector<1x5120xf32>
    %slice3A_137 = vector.extract_strided_slice %get3A_135 {offsets = [2, 0], sizes = [1, 5120], strides = [1, 1]} : vector<8x5120xf32> to vector<1x5120xf32>
    %slice3A_138 = vector.extract_strided_slice %get3A_135 {offsets = [3, 0], sizes = [1, 5120], strides = [1, 1]} : vector<8x5120xf32> to vector<1x5120xf32>
    %div3A_139 = arith.constant 2.000000e+00 : f32
    %div3A_140 = vector.broadcast %div3A_139 : f32 to vector<1x5120xf32>
    %div3A_141 = arith.divf %slice3A_137, %div3A_140 : vector<1x5120xf32>
    %sub3A_142 = arith.subf %slice3A, %div3A_141 : vector<1x5120xf32>
    %mul3A = arith.mulf %sub3A_142, %get3A_132 : vector<1x5120xf32>
    %div3A_143 = arith.constant 2.000000e+00 : f32
    %div3A_144 = vector.broadcast %div3A_143 : f32 to vector<1x5120xf32>
    %div3A_145 = arith.divf %slice3A_138, %div3A_144 : vector<1x5120xf32>
    %sub3A_146 = arith.subf %slice3A_136, %div3A_145 : vector<1x5120xf32>
    %mul3A_147 = arith.mulf %sub3A_146, %get3A_132 : vector<1x5120xf32>
    %div3A_148 = arith.constant 2.000000e+00 : f32
    %div3A_149 = vector.broadcast %div3A_148 : f32 to vector<1x5120xf32>
    %div3A_150 = arith.divf %slice3A_137, %div3A_149 : vector<1x5120xf32>
    %add3A_151 = arith.addf %slice3A, %div3A_150 : vector<1x5120xf32>
    %mul3A_152 = arith.mulf %add3A_151, %get3A_132 : vector<1x5120xf32>
    %div3A_153 = arith.constant 2.000000e+00 : f32
    %div3A_154 = vector.broadcast %div3A_153 : f32 to vector<1x5120xf32>
    %div3A_155 = arith.divf %slice3A_138, %div3A_154 : vector<1x5120xf32>
    %add3A_156 = arith.addf %slice3A_136, %div3A_155 : vector<1x5120xf32>
    %mul3A_157 = arith.mulf %add3A_156, %get3A_132 : vector<1x5120xf32>
    %slice3A_158 = vector.extract_strided_slice %get3A_135 {offsets = [4, 0], sizes = [1, 5120], strides = [1, 1]} : vector<8x5120xf32> to vector<1x5120xf32>
    %mul3A_159 = arith.mulf %slice3A_158, %get3A_132 : vector<1x5120xf32>
    %slice3A_160 = vector.extract_strided_slice %get3A_135 {offsets = [5, 0], sizes = [1, 5120], strides = [1, 1]} : vector<8x5120xf32> to vector<1x5120xf32>
    %mul3A_161 = arith.mulf %slice3A_160, %get3A_132 : vector<1x5120xf32>
    %slice3A_162 = vector.extract_strided_slice %get3A_135 {offsets = [6, 0], sizes = [1, 5120], strides = [1, 1]} : vector<8x5120xf32> to vector<1x5120xf32>
    %mul3A_163 = arith.mulf %slice3A_162, %get3A_132 : vector<1x5120xf32>
    %broadcast_in_dim3A_164 = arith.constant 0.000000e+00 : f32
    %broadcast_in_dim3A_165 = vector.broadcast %broadcast_in_dim3A_164 : f32 to vector<1x5120xf32>
    %concatenate3A = tpu.concatenate %mul3A, %mul3A_147, %mul3A_152, %mul3A_157, %mul3A_159, %mul3A_161, %mul3A_163, %broadcast_in_dim3A_165 in 0 : vector<1x5120xf32>, vector<1x5120xf32>, vector<1x5120xf32>, vector<1x5120xf32>, vector<1x5120xf32>, vector<1x5120xf32>, vector<1x5120xf32>, vector<1x5120xf32> -> vector<8x5120xf32>
    %slice3A_166 = vector.extract_strided_slice %concatenate3A {offsets = [0, 0], sizes = [8, 512], strides = [1, 1]} : vector<8x5120xf32> to vector<8x512xf32>
    %transpose3A_167 = tpu.transpose %slice3A_166, [1, 0] : vector<8x512xf32> -> vector<512x8xf32>
    %swap3A_168 = arith.constant 0 : index
    %swap3A_169 = arith.constant 0 : index
    %swap3A_170 = arith.constant 0 : index
    %swap3A_171 = vector.load %arg2[%swap3A_168, %swap3A_169, %swap3A_170] : memref<1x5120x8xf32, #tpu.memory_space<vmem>>, vector<1x512x8xf32>
    %swap3A_172 = vector.shape_cast %swap3A_171 : vector<1x512x8xf32> to vector<512x8xf32>
    %swap3A_173 = vector.shape_cast %transpose3A_167 : vector<512x8xf32> to vector<1x512x8xf32>
    tpu.vector_store %arg2[%swap3A_168, %swap3A_169, %swap3A_170], %swap3A_173 {strides = array<i32>} : memref<1x5120x8xf32, #tpu.memory_space<vmem>>, vector<1x512x8xf32>,
    %slice3A_174 = vector.extract_strided_slice %concatenate3A {offsets = [0, 512], sizes = [8, 512], strides = [1, 1]} : vector<8x5120xf32> to vector<8x512xf32>
    %transpose3A_175 = tpu.transpose %slice3A_174, [1, 0] : vector<8x512xf32> -> vector<512x8xf32>
    %swap3A_176 = arith.constant 0 : index
    %swap3A_177 = arith.constant 512 : index
    %swap3A_178 = arith.constant 0 : index
    %swap3A_179 = vector.load %arg2[%swap3A_176, %swap3A_177, %swap3A_178] : memref<1x5120x8xf32, #tpu.memory_space<vmem>>, vector<1x512x8xf32>
    %swap3A_180 = vector.shape_cast %swap3A_179 : vector<1x512x8xf32> to vector<512x8xf32>
    %swap3A_181 = vector.shape_cast %transpose3A_175 : vector<512x8xf32> to vector<1x512x8xf32>
    tpu.vector_store %arg2[%swap3A_176, %swap3A_177, %swap3A_178], %swap3A_181 {strides = array<i32>} : memref<1x5120x8xf32, #tpu.memory_space<vmem>>, vector<1x512x8xf32>,
    %slice3A_182 = vector.extract_strided_slice %concatenate3A {offsets = [0, 1024], sizes = [8, 512], strides = [1, 1]} : vector<8x5120xf32> to vector<8x512xf32>
    %transpose3A_183 = tpu.transpose %slice3A_182, [1, 0] : vector<8x512xf32> -> vector<512x8xf32>
    %swap3A_184 = arith.constant 0 : index
    %swap3A_185 = arith.constant 1024 : index
    %swap3A_186 = arith.constant 0 : index
    %swap3A_187 = vector.load %arg2[%swap3A_184, %swap3A_185, %swap3A_186] : memref<1x5120x8xf32, #tpu.memory_space<vmem>>, vector<1x512x8xf32>
    %swap3A_188 = vector.shape_cast %swap3A_187 : vector<1x512x8xf32> to vector<512x8xf32>
    %swap3A_189 = vector.shape_cast %transpose3A_183 : vector<512x8xf32> to vector<1x512x8xf32>
    tpu.vector_store %arg2[%swap3A_184, %swap3A_185, %swap3A_186], %swap3A_189 {strides = array<i32>} : memref<1x5120x8xf32, #tpu.memory_space<vmem>>, vector<1x512x8xf32>,
    %slice3A_190 = vector.extract_strided_slice %concatenate3A {offsets = [0, 1536], sizes = [8, 512], strides = [1, 1]} : vector<8x5120xf32> to vector<8x512xf32>
    %transpose3A_191 = tpu.transpose %slice3A_190, [1, 0] : vector<8x512xf32> -> vector<512x8xf32>
    %swap3A_192 = arith.constant 0 : index
    %swap3A_193 = arith.constant 1536 : index
    %swap3A_194 = arith.constant 0 : index
    %swap3A_195 = vector.load %arg2[%swap3A_192, %swap3A_193, %swap3A_194] : memref<1x5120x8xf32, #tpu.memory_space<vmem>>, vector<1x512x8xf32>
    %swap3A_196 = vector.shape_cast %swap3A_195 : vector<1x512x8xf32> to vector<512x8xf32>
    %swap3A_197 = vector.shape_cast %transpose3A_191 : vector<512x8xf32> to vector<1x512x8xf32>
    tpu.vector_store %arg2[%swap3A_192, %swap3A_193, %swap3A_194], %swap3A_197 {strides = array<i32>} : memref<1x5120x8xf32, #tpu.memory_space<vmem>>, vector<1x512x8xf32>,
    %slice3A_198 = vector.extract_strided_slice %concatenate3A {offsets = [0, 2048], sizes = [8, 512], strides = [1, 1]} : vector<8x5120xf32> to vector<8x512xf32>
    %transpose3A_199 = tpu.transpose %slice3A_198, [1, 0] : vector<8x512xf32> -> vector<512x8xf32>
    %swap3A_200 = arith.constant 0 : index
    %swap3A_201 = arith.constant 2048 : index
    %swap3A_202 = arith.constant 0 : index
    %swap3A_203 = vector.load %arg2[%swap3A_200, %swap3A_201, %swap3A_202] : memref<1x5120x8xf32, #tpu.memory_space<vmem>>, vector<1x512x8xf32>
    %swap3A_204 = vector.shape_cast %swap3A_203 : vector<1x512x8xf32> to vector<512x8xf32>
    %swap3A_205 = vector.shape_cast %transpose3A_199 : vector<512x8xf32> to vector<1x512x8xf32>
    tpu.vector_store %arg2[%swap3A_200, %swap3A_201, %swap3A_202], %swap3A_205 {strides = array<i32>} : memref<1x5120x8xf32, #tpu.memory_space<vmem>>, vector<1x512x8xf32>,
    %slice3A_206 = vector.extract_strided_slice %concatenate3A {offsets = [0, 2560], sizes = [8, 512], strides = [1, 1]} : vector<8x5120xf32> to vector<8x512xf32>
    %transpose3A_207 = tpu.transpose %slice3A_206, [1, 0] : vector<8x512xf32> -> vector<512x8xf32>
    %swap3A_208 = arith.constant 0 : index
    %swap3A_209 = arith.constant 2560 : index
    %swap3A_210 = arith.constant 0 : index
    %swap3A_211 = vector.load %arg2[%swap3A_208, %swap3A_209, %swap3A_210] : memref<1x5120x8xf32, #tpu.memory_space<vmem>>, vector<1x512x8xf32>
    %swap3A_212 = vector.shape_cast %swap3A_211 : vector<1x512x8xf32> to vector<512x8xf32>
    %swap3A_213 = vector.shape_cast %transpose3A_207 : vector<512x8xf32> to vector<1x512x8xf32>
    tpu.vector_store %arg2[%swap3A_208, %swap3A_209, %swap3A_210], %swap3A_213 {strides = array<i32>} : memref<1x5120x8xf32, #tpu.memory_space<vmem>>, vector<1x512x8xf32>,
    %slice3A_214 = vector.extract_strided_slice %concatenate3A {offsets = [0, 3072], sizes = [8, 512], strides = [1, 1]} : vector<8x5120xf32> to vector<8x512xf32>
    %transpose3A_215 = tpu.transpose %slice3A_214, [1, 0] : vector<8x512xf32> -> vector<512x8xf32>
    %swap3A_216 = arith.constant 0 : index
    %swap3A_217 = arith.constant 3072 : index
    %swap3A_218 = arith.constant 0 : index
    %swap3A_219 = vector.load %arg2[%swap3A_216, %swap3A_217, %swap3A_218] : memref<1x5120x8xf32, #tpu.memory_space<vmem>>, vector<1x512x8xf32>
    %swap3A_220 = vector.shape_cast %swap3A_219 : vector<1x512x8xf32> to vector<512x8xf32>
    %swap3A_221 = vector.shape_cast %transpose3A_215 : vector<512x8xf32> to vector<1x512x8xf32>
    tpu.vector_store %arg2[%swap3A_216, %swap3A_217, %swap3A_218], %swap3A_221 {strides = array<i32>} : memref<1x5120x8xf32, #tpu.memory_space<vmem>>, vector<1x512x8xf32>,
    %slice3A_222 = vector.extract_strided_slice %concatenate3A {offsets = [0, 3584], sizes = [8, 512], strides = [1, 1]} : vector<8x5120xf32> to vector<8x512xf32>
    %transpose3A_223 = tpu.transpose %slice3A_222, [1, 0] : vector<8x512xf32> -> vector<512x8xf32>
    %swap3A_224 = arith.constant 0 : index
    %swap3A_225 = arith.constant 3584 : index
    %swap3A_226 = arith.constant 0 : index
    %swap3A_227 = vector.load %arg2[%swap3A_224, %swap3A_225, %swap3A_226] : memref<1x5120x8xf32, #tpu.memory_space<vmem>>, vector<1x512x8xf32>
    %swap3A_228 = vector.shape_cast %swap3A_227 : vector<1x512x8xf32> to vector<512x8xf32>
    %swap3A_229 = vector.shape_cast %transpose3A_223 : vector<512x8xf32> to vector<1x512x8xf32>
    tpu.vector_store %arg2[%swap3A_224, %swap3A_225, %swap3A_226], %swap3A_229 {strides = array<i32>} : memref<1x5120x8xf32, #tpu.memory_space<vmem>>, vector<1x512x8xf32>,
    %slice3A_230 = vector.extract_strided_slice %concatenate3A {offsets = [0, 4096], sizes = [8, 512], strides = [1, 1]} : vector<8x5120xf32> to vector<8x512xf32>
    %transpose3A_231 = tpu.transpose %slice3A_230, [1, 0] : vector<8x512xf32> -> vector<512x8xf32>
    %swap3A_232 = arith.constant 0 : index
    %swap3A_233 = arith.constant 4096 : index
    %swap3A_234 = arith.constant 0 : index
    %swap3A_235 = vector.load %arg2[%swap3A_232, %swap3A_233, %swap3A_234] : memref<1x5120x8xf32, #tpu.memory_space<vmem>>, vector<1x512x8xf32>
    %swap3A_236 = vector.shape_cast %swap3A_235 : vector<1x512x8xf32> to vector<512x8xf32>
    %swap3A_237 = vector.shape_cast %transpose3A_231 : vector<512x8xf32> to vector<1x512x8xf32>
    tpu.vector_store %arg2[%swap3A_232, %swap3A_233, %swap3A_234], %swap3A_237 {strides = array<i32>} : memref<1x5120x8xf32, #tpu.memory_space<vmem>>, vector<1x512x8xf32>,
    %slice3A_238 = vector.extract_strided_slice %concatenate3A {offsets = [0, 4608], sizes = [8, 512], strides = [1, 1]} : vector<8x5120xf32> to vector<8x512xf32>
    %transpose3A_239 = tpu.transpose %slice3A_238, [1, 0] : vector<8x512xf32> -> vector<512x8xf32>
    %swap3A_240 = arith.constant 0 : index
    %swap3A_241 = arith.constant 4608 : index
    %swap3A_242 = arith.constant 0 : index
    %swap3A_243 = vector.load %arg2[%swap3A_240, %swap3A_241, %swap3A_242] : memref<1x5120x8xf32, #tpu.memory_space<vmem>>, vector<1x512x8xf32>
    %swap3A_244 = vector.shape_cast %swap3A_243 : vector<1x512x8xf32> to vector<512x8xf32>
    %swap3A_245 = vector.shape_cast %transpose3A_239 : vector<512x8xf32> to vector<1x512x8xf32>
    tpu.vector_store %arg2[%swap3A_240, %swap3A_241, %swap3A_242], %swap3A_245 {strides = array<i32>} : memref<1x5120x8xf32, #tpu.memory_space<vmem>>, vector<1x512x8xf32>,
    return
  }
  func.func @transform_0(%arg0: i32) -> (i32, i32, i32) {
    %c0_i32 = arith.constant 0 : i32
    %c0_i32_0 = arith.constant 0 : i32
    %c0_i32_1 = arith.constant 0 : i32
    return %arg0, %c0_i32, %c0_i32_0 : i32, i32, i32
  }
  func.func @transform_1(%arg0: i32) -> (i32, i32, i32) {
    %c0_i32 = arith.constant 0 : i32
    %c0_i32_0 = arith.constant 0 : i32
    %c0_i32_1 = arith.constant 0 : i32
    return %arg0, %c0_i32, %c0_i32_0 : i32, i32, i32
  }
}

</mosaic_0001>

<sc_bundles>
// kernel: gather_offload_async_start.1
scs
__scs_entry_jumppad:
0x0: {  	(pc) =	sbr.rel $0x88, $3  }
0x1: {  	(tag) =	ssettag $0x0;
	lr =	simm.s32 $0x1  }
0x2: {  	[smem:$0x3FA0] =	sst lr;
	_ =	strace $0xD0000000  }
0x3: {  	_ = 	snop  }
0x4: {  	_ = 	snop  }
0x5: {  	_ = 	snop  }
0x6: {  	_ = 	snop  }
0x7: {  	_ = 	snop  }
__scs_overlays_trampoline_lowered:
0x8: {  	[smem:$0x3FAF] =	sst s0  }
0x9: {  	[smem:$0x3FB0] =	sst s1  }
0xa: {  	[smem:$0x3FB1] =	sst s2  }
0xb: {  	[smem:$0x3FB2] =	sst s3  }
0xc: {  	[smem:$0x3FB3] =	sst s4  }
0xd: {  	[smem:$0x3FB4] =	sst s5  }
0xe: {  	[smem:$0x3FB5] =	sst s6  }
0xf: {  	[smem:$0x3FB6] =	sst s7  }
0x10: {  	[smem:$0x3FB7] =	sst s8  }
0x11: {  	[smem:$0x3FB8] =	sst s9;
	s0 =	simm.s32 @!p0 $0x0  }
0x12: {  	s1 =	sld [smem:$0x3F9E];
	s0 =	simm.s32 @p0 $0x1  }
0x13: {  	[smem:$0x3FB9] =	sst s0;
	s0 =	simm.s32 @!p1 $0x0  }
0x14: {  	s2 =	sld [smem:$0x3F9D];
	s0 =	simm.s32 @p1 $0x1  }
0x15: {  	[smem:$0x3FBA] =	sst s0;
	s0 =	simm.s32 @!p2 $0x0  }
0x16: {  	s3 =	sld [smem:$0x3FDB];
	s0 =	simm.s32 @p2 $0x1  }
0x17: {  	s4 =	simm.s32 $0x1BF5;
	[smem:$0x3FBC] =	sst s0  }
0x18: {  	s0 =	sld [smem:$0x3F9F];
	_ =	swait.ge [sflag:s4], $0x0  }
0x19: {  	s7 =	sld [smem:$0x3FA0]  }
0x1a: {  	s8 =	sadd.s32 $0xFFFFE003, lr  }
0x1b: {  	s9 =	sadd.s32 $0xFFFFFEF7, lr;
	s5 =	simm.s32 $0xFFFFFFFF;
	p2 =	slt.u32 s8, $0xFFFFF086  }
0x1c: {  	p1 =	slt.u32 s9, $0xF7A;
	s5 =	simm.s32 @!p2 $0x0  }
0x1d: {  	s5 =	simm.s32 @p1 $0x1;
	p0 =	seq.s32 s7, s2  }
0x1e: {  	s7 =	smul.u32 @!p0 $0xF7A, s2;
	p2 =	seq.s32 @!p0 s5, $0x0  }
0x1f: {  	s9 =	smul.u32 $0xF7A, s1;
	s8 =	simm.s32 @!p0 $0x1BF5;
	p2 =	por !p2, p0  }
0x20: {  	[sflag:s8] =	ssyncset.s32 @!p0 $0xFFFFF086;
	s6 =	sadd.s32 @!p0 s3, s7;
	s7 =	simm.s32 @!p0 $0x108  }
0x21: {  	s3 =	sadd.s32 s3, s9;
	s6 =	sadd.s32 @!p0 $0x88, s6;
	s7 =	simm.s32 @p2 $0x1082  }
0x22: {  	[simem:s7], [sflag:s8] =	dma.local @!p0 [hbm:s6], $0xF7A  }
0x23: {  	s9 =	sor.u32 $0xD0000000, s2;
	s6 =	simm.s32 $0x108;
	_ =	swait.ge @!p0 [sflag:s8], $0x0  }
0x24: {  	s3 =	sadd.s32 $0x88, s3;
	s6 =	simm.s32 @!p1 $0x1082;
	[sflag:s4] =	ssyncset.s32 $0xFFFFF086  }
0x25: {  	[simem:s6], [sflag:s4] =	dma.local [hbm:s3], $0xF7A  }
0x26: {  	[smem:$0x3FA0] =	sst s1;
	(tag) =	ssettag s2;
	_ =	strace s9  }
0x27: {  	s1 =	sld [smem:$0x3FB0]  }
0x28: {  	s2 =	sld [smem:$0x3FB1]  }
0x29: {  	s4 =	sld [smem:$0x3FB3]  }
0x2a: {  	p0 =	seq.s32 s5, $0x0;
	s5 =	sld [smem:$0x3FB4]  }
0x2b: {  	s6 =	sld [smem:$0x3FB5]  }
0x2c: {  	s7 =	sld [smem:$0x3FB6]  }
0x2d: {  	s3 =	simm.s32 $0x108;
	s8 =	sld [smem:$0x3FB7]  }
0x2e: {  	s3 =	simm.s32 @!p0 $0x1082;
	s9 =	sld [smem:$0x3FB8]  }
0x2f: {  	lr =	sadd.s32 s0, s3;
	s0 =	sld [smem:$0x3FAF]  }
0x30: {  	s3 =	sld [smem:$0x3FB2]  }
0x31: {  	[smem:$0x3FBB] =	sst s10  }
0x32: {  	s10 =	sld [smem:$0x3FB9];
	_ =	sdelay $0x3  }
0x33: {  	p0 =	seq.s32 s10, $0x1;
	s10 =	sld [smem:$0x3FBB];
	_ =	sdelay $0x3  }
0x34: {  	[smem:$0x3FBB] =	sst s10  }
0x35: {  	s10 =	sld [smem:$0x3FBA];
	_ =	sdelay $0x3  }
0x36: {  	p1 =	seq.s32 s10, $0x1;
	s10 =	sld [smem:$0x3FBB];
	_ =	sdelay $0x3  }
0x37: {  	[smem:$0x3FBB] =	sst s10  }
0x38: {  	s10 =	sld [smem:$0x3FBC]  }
0x39: {  	_ = 	snop;
	(pc) =	sbr.ind lr, $3  }
0x3a: {  	_ = 	snop  }
0x3b: {  	_ = 	snop  }
0x3c: {  	p2 =	seq.s32 s10, $0x1;
	s10 =	sld [smem:$0x3FBB]  }
0x3d: {  	_ =	shalt  }
0x3e: {  	_ =	shalt  }
0x3f: {  	_ =	shalt  }
0x40: {  	_ =	shalt  }
0x41: {  	_ =	shalt  }
0x42: {  	_ =	shalt  }
0x43: {  	_ =	shalt  }
0x44: {  	_ =	shalt  }
0x45: {  	_ =	shalt  }
0x46: {  	_ =	shalt  }
0x47: {  	_ =	shalt  }
0x48: {  	_ =	shalt  }
0x49: {  	_ =	shalt  }
0x4a: {  	_ =	shalt  }
0x4b: {  	_ =	shalt  }
0x4c: {  	_ =	shalt  }
0x4d: {  	_ =	shalt  }
0x4e: {  	_ =	shalt  }
0x4f: {  	_ =	shalt  }
0x50: {  	_ =	shalt  }
0x51: {  	_ =	shalt  }
0x52: {  	_ =	shalt  }
0x53: {  	_ =	shalt  }
0x54: {  	_ =	shalt  }
0x55: {  	_ =	shalt  }
0x56: {  	_ =	shalt  }
0x57: {  	_ =	shalt  }
0x58: {  	_ =	shalt  }
0x59: {  	_ =	shalt  }
0x5a: {  	_ =	shalt  }
0x5b: {  	_ =	shalt  }
0x5c: {  	_ =	shalt  }
0x5d: {  	_ =	shalt  }
0x5e: {  	_ =	shalt  }
0x5f: {  	_ =	shalt  }
0x60: {  	_ =	shalt  }
0x61: {  	_ =	shalt  }
0x62: {  	_ =	shalt  }
0x63: {  	_ =	shalt  }
0x64: {  	_ =	shalt  }
0x65: {  	_ =	shalt  }
0x66: {  	_ =	shalt  }
0x67: {  	_ =	shalt  }
0x68: {  	_ =	shalt  }
0x69: {  	_ =	shalt  }
0x6a: {  	_ =	shalt  }
0x6b: {  	_ =	shalt  }
0x6c: {  	_ =	shalt  }
0x6d: {  	_ =	shalt  }
0x6e: {  	_ =	shalt  }
0x6f: {  	_ =	shalt  }
0x70: {  	_ =	shalt  }
0x71: {  	_ =	shalt  }
0x72: {  	_ =	shalt  }
0x73: {  	_ =	shalt  }
0x74: {  	_ =	shalt  }
0x75: {  	_ =	shalt  }
0x76: {  	_ =	shalt  }
0x77: {  	_ =	shalt  }
0x78: {  	_ =	shalt  }
0x79: {  	_ =	shalt  }
0x7a: {  	_ =	shalt  }
0x7b: {  	_ =	shalt  }
0x7c: {  	_ =	shalt  }
0x7d: {  	_ =	shalt  }
0x7e: {  	_ =	shalt  }
0x7f: {  	_ =	shalt  }
0x80: {  	_ =	shalt  }
0x81: {  	_ =	shalt  }
0x82: {  	_ =	shalt  }
0x83: {  	_ =	shalt  }
0x84: {  	_ =	shalt  }
0x85: {  	_ =	shalt  }
0x86: {  	_ =	shalt  }
0x87: {  	_ =	shalt  }
.Lfunc_end0:
.L_simem_size_0:
called_computation.1_lowered:
.L_overlay_start_0:
0x88: {  	s2 =	sld [smem:$0x3FD9]  }
0x89: {  	s3 =	sld [smem:$0x3FFE];
	_ =	sdelay $0x1  }
0x8a: {  	s1 =	srdreg.scid  }
0x8b: {  	s0 =	sand.u32 $0x1, s1  }
0x8c: {  	s16 =	sshll.u32 s0, $0xA;
	s2 =	sadd.s32 s3, s2  }
0x8d: {  	s2 =	sadd.s32 s2, s16  }
0x8e: {  	[smem:$0x3FC7] =	sst s2  }
0x8f: {  	_ = 	snop  }
0x90: {  	(tm) =	ssettm $0x1  }
0x91: {  	s17 =	sld [smem:$0x3FFB];
	_ =	sdelay $0x3  }
0x92: {  	_ =	strace s17  }
0x93: {  	s2 =	sld [smem:$0x3FFC];
	_ =	sdelay $0x3  }
0x94: {  	_ =	strace s2  }
0x95: {  	s2 =	sld [smem:$0x3FFD];
	_ =	sdelay $0x3  }
0x96: {  	_ =	strace s2  }
0x97: {  	_ =	strace $0x8FFFFFFF  }
0x98: {  	s18 =	sld [smem:$0x3FDB];
	_ =	sdelay $0x1  }
0x99: {  	s19 =	simm.s32 $_scs_section_size  }
0x9a: {  	s4 =	simm.s32 $_size__tile_overlayer_lowered;
	s5 =	simm.s32 $_tile_overlayer_lowered  }
0x9b: {  	s22 =	simm.s32 $0x1BFF;
	s21 =	sshll.u32 s5, $0x1;
	s2 =	sadd.s32 s19, s18  }
0x9c: {  	s6 =	simm.s32 $0x0;
	s20 =	sshll.u32 s4, $0x1;
	s4 =	sadd.s32 s21, s2  }
0x9d: {  	[timem:s6], [sflag:s22] =	dma.local [hbm:s4], s20  }
0x9e: {  	_ =	swait.ge [sflag:s22], s20  }
0x9f: {  	s3 =	ssub.s32 $0x0, s20;
	[sflag:s22] =	ssyncset.done $0x0  }
0xa0: {  	[sflag:s22] =	ssyncadd.s32 s3;
	_ =	sdelay $0x1  }
0xa1: {  	s23 =	simm.s32 $0x1B8B  }
0xa2: {  	_ =	swait.ge [sflag:s23], $0x1  }
0xa3: {  	[sflag:s23] =	ssyncset.done $0x0  }
0xa4: {  	s25 =	simm.s32 $0x1B8E;
	s24 =	sld [smem:$0x3FFE];
	[sflag:s23] =	ssyncadd.s32 $0xFFFFFFFF  }
0xa5: {  	s26 =	simm.s32 $execute0_lowered;
	[smem:$0x3FD2] =	sst s25  }
0xa6: {  	s4 =	sshll.u32 s26, $0x1;
	_ =	strace $0x80000049;
	[dreg:$0x1] =	wrdreg $0xFFFFFFFF  }
0xa7: {  	s28 =	simm.s32 $_size_execute0_lowered;
	s2 =	sadd.s32 s2, s4;
	[dreg:$0x0] =	wrdreg $0x0  }
0xa8: {  	s4 =	sshll.u32 s28, $0x1;
	[dreg:$0x2] =	wrdreg s2  }
0xa9: {  	[dreg:$0x3] =	wrdreg s4  }
0xaa: {  	[dreg:$0x4] =	wrdreg $0xC0  }
0xab: {  	_ =	task [dreg:s6], $0x5FFFF  }
0xac: {  	[dreg:$0x1] =	wrdreg $0xFFFFFFFF  }
0xad: {  	[dreg:$0x0] =	wrdreg $0x60  }
0xae: {  	[dreg:$0x2] =	wrdreg s24  }
0xaf: {  	[dreg:$0x3] =	wrdreg $0x9  }
0xb0: {  	_ =	task.clear_ibuf [dreg:s6], $0x4FFFF;
	_ =	strace $0x90000049  }
0xb1: {  	s29 =	simm.s32 $0x9;
	_ =	strace $0x8000004B  }
0xb2: {  	_ =	swait.ge [sflag:s29], $0x1  }
0xb3: {  	[sflag:s29] =	ssyncadd.s32 $0xFFFFFFFF  }
0xb4: {  	_ =	strace $0x9000004B  }
0xb5: {  	_ =	sfence  }
0xb6: {  	s30 =	sld [smem:$0x0];
	_ =	sdelay $0x2  }
0xb7: {  	s31 =	sshll.u32 s1, $0xD;
	s1 =	sshrl.u32 s1, $0x2  }
0xb8: {  	s3 =	sand.u32 $0x4000, s31;
	s1 =	sadd.s32 s1, s30  }
0xb9: {  	s0 =	sor.u32 s3, s0;
	s1 =	sshll.u32 s1, $0x11  }
0xba: {  	s0 =	sor.u32 s1, s0  }
0xbb: {  	s0 =	sadd.s32 $0x8F2B, s0  }
0xbc: {  	[sflag:s0] =	ssyncadd.remote.s32 $0x1  }
0xbd: {  	_ =	sfence.sel $0xFFFF  }
0xbe: {  	[dreg:$0x0] =	wrdreg $0xFFFFFFFF;
	(pc) =	sbr.abs _section_cstart, $3  }
0xbf: {  	[dreg:$0x1] =	wrdreg $0xFFFFFFFF  }
0xc0: {  	_ =	task.clear_ibuf [dreg:s6], $0x2FFFF;
	_ =	strace $0x9FFFFFFF  }
0xc1: {  	(tm) =	ssettm $0x7FFFFFFF  }
tec
execute0_lowered:
.L_overlay_start_1:
0x0: {  	(tag) =	ssettag $0x1  }
0x1: {  	s0 =	srdreg.scid  }
0x2: {  	s1 =	sshll.u32 s0, $0x4  }
0x3: {  	s0 =	stileid.u32;
	s1 =	sand.u32 $0x10, s1  }
0x4: {  	s2 =	sor.u32 s0, s1  }
0x5: {  	s1 =	smul.u32 $0x3, s2  }
0x6: {  	s3 =	smin.u32 s2, $0x4  }
0x7: {  	s1 =	sadd.s32 s3, s1  }
0x8: {  	p0 =	slt.u32 s2, $0x4;
	s2 =	simm.s32 $0x640;
	s1 =	smul.u32 $0x190, s1  }
0x9: {  	s2 =	simm.s32 @!p0 $0x4B0  }
0xa: {  	s2 =	sadd.s32 s2, s1  }
0xb: {  	s3 =	smin.u32 s2, $0x9C40  }
0xc: {  	s7 =	ssub.s32 s3, s1  }
0xd: {  	p0 =	sgt.s32 s7, $0x0  }
0xe: {  	s7 =	simm.s32 @!p0 $0x0  }
0xf: {  	s31 =	sand.u32 $0xFFF0, s7  }
0x10: {  	s2 =	sshrl.u32 s31, $0x4  }
0x11: {  	s2 =	smul.u32 $0xA3E, s2  }
0x12: {  	s4 =	rddreg [dreg:$0x0];
	s6 =	simm.s32 $0x1  }
0x13: {  	s10 =	simm.s32 $0x3;
	s13 =	simm.s32 $0x0;
	s8 =	sshrl.u32 s2, $0x10  }
0x14: {  	s12 =	simm.s32 $0x0;
	s5 =	sadd.s32 $0xA0000, s4;
	s9 =	smul.u32 $0x190, s8  }
.Ltmp0:
0x15: {  	s11 =	smov.u32 s1;
	s2 =	rddreg [dreg:$0x1];
	(pc) =	sbr.rel .LBB2_1-.Ltmp0, $4  }
0x16: {  	_ =	strace $0x8000004A;
	p0 =	sne.s32 s7, s9;
	s9 =	simm.s32 $0x1  }
0x17: {  	[sflag:s6] =	ssyncpa.u1 $0x0;
	s7 =	simm.s32 $0x2;
	s9 =	simm.s32 @!p0 $0x0  }
0x18: {  	[sflag:s7] =	ssyncpa.u1 $0x0;
	p0 =	por $0x0, $0x0;
	s8 =	sadd.s32 s8, s9  }
0x19: {  	vm0 =	vmmov $0xff;
	vm1 =	vcmask $0x3F20;
	s9 =	sadd.s32 $0xA2800, s4;
	[sflag:s10] =	ssyncpa.u1 $0x0;
	s10 =	sadd.s32 $0x1, s8  }
.LBB2_6:
0x1a: {  	[hbm:s17] =	stream.linear.scatter [tilespmem:s14], [sflag:$0x3], $0x400, $0x38;
	[tilespmem:$0x19320] =	vst v63  }
.LBB2_7:
0x1b: {  	s13 =	sadd.s32 $0x190, s11  }
0x1c: {  	s15 =	smov.u32 s1;
	p2 =	slt.s32 s13, s3  }
0x1d: {  	s15 =	smov.u32 @p2 s13;
	p2 =	sne.s32 s12, s10  }
.Ltmp1:
0x1e: {  	p1 =	slt.u32 s12, $0x2;
	(pc) =	sbr.rel @!p2 .LBB2_8-.Ltmp1, $4  }
0x1f: {  	s14 =	simm.s32 @!p1 $0x3  }
0x20: {  	s16 =	sadd.s32 $0x1, s12;
	_ =	swait.ge @!p1 [sflag:s14], $0xC800  }
0x21: {  	p0 =	por !p0, !p0;
	s13 =	smov.u32 s11;
	[sflag:s14] =	ssyncset.done @!p1 $0x0  }
0x22: {  	s12 =	smov.u32 s16;
	s11 =	smov.u32 s15;
	[sflag:s14] =	ssyncadd.s32 @!p1 $0xFFFF3800  }
.LBB2_1:
0x23: {  	p1 =	sge.u32 s12, s8  }
0x24: {  	s14 =	sxor.u32 @!p1 $0xFFFFFFFF, s12  }
0x25: {  	s14 =	sand.u32 @!p1 $0x1, s14  }
0x26: {  	s14 =	smul.u32 @!p1 $0x640, s14  }
0x27: {  	s31 =	sadd.s32 $0xFFFFFFFF, s12;
	s15 =	sshrl.u32 @!p1 s11, $0x3  }
0x28: {  	s16 =	sand.u32 @!p1 $0x7, s11;
	s15 =	sadd.s32 @!p1 s5, s15;
	s14 =	sshrl.u32 @!p1 s14, $0x2  }
0x29: {  	[tilespmem:s14], [sflag:$0x2] =	stream.linear.gather @!p1 [hbm4b:s15+s16], $0x190, $0x38;
	[tilespmem:$0x19320] =	vst v63  }
0x2a: {  	p1 =	sge.u32 s31, s8  }
.Ltmp2:
0x2b: {  	_ = 	snop;
	(pc) =	sbr.rel @p1 .LBB2_7-.Ltmp2, $1  }
0x2c: {  	_ =	sdelay $0x3  }
0x2d: {  	s14 =	simm.s32 $0x1  }
0x2e: {  	s14 =	simm.s32 @!p0 $0x0  }
0x2f: {  	s15 =	smul.u32 $0x640, s14  }
0x30: {  	_ =	swait.ge [sflag:s7], $0x190  }
0x31: {  	[sflag:s7] =	ssyncset.done $0x0;
	s16 =	sshrl.u32 s15, $0x2  }
0x32: {  	[sflag:s7] =	ssyncadd.s32 $0xFFFFFE70;
	s15 =	sadd.s32 $0x0, s16  }
0x33: {  	v0 =	vld.msk [tilespmem:s15+$0x0 ss:$0x1], $0xffff;
	_ =	sdelay $0x4  }
0x34: {  	v1 =	vand.u32 $0x7, v0;
	v2 =	vshll.u32 v0, $0x4  }
0x35: {  	vm2 =	veq.s32 v0, $0x80000000;
	v0 =	vmul.u32 $0xA0000, v1;
	v1 =	vand.u32 $0xFFF80, v2  }
0x36: {  	v1 =	vsel vm2, $0xFFFFFF80, v1  }
0x37: {  	v0 =	vsel vm2, $0xFFF60000, v0;
	v2 =	vand.u32 $0xFFFFFC00, v1  }
0x38: {  	v1 =	vand.u32 $0x380, v1;
	v0 =	vadd.s32 v0, v2  }
0x39: {  	v0 =	vor.u32 v1, v0  }
0x3a: {  	v0 =	vshrl.u32 v0, $0x3  }
0x3b: {  	s14 =	smul.u32 $0x32000, s14;
	_ =	sdelay $0x1  }
0x3c: {  	s14 =	sshrl.u32 s14, $0x2  }
0x3d: {  	s14 =	sor.u32 $0x320, s14  }
0x3e: {  	[tilespmem:s14], [sflag:$0x1] =	stream.indirect_vreg.gather [hbm:s4], $0x80, v0, vm0, $0x38;
	[tilespmem:$0x19320] =	vst v63  }
0x3f: {  	s17 =	sadd.s32 $0x10, s16;
	s15 =	sadd.s32 $0x400, s14  }
0x40: {  	[tilespmem:s15], [sflag:$0x1] =	stream.indirect_vreg.gather [hbm:s4], $0x80, v0, vm1, $0x38;
	[tilespmem:$0x19320] =	vst v63  }
0x41: {  	s18 =	simm.s32 $0x80;
	v0 =	vld.msk [tilespmem:s17+$0x0 ss:$0x1], $0xffff;
	s17 =	smov.u32 s14  }
.LBB2_3:
0x42: {  	p1 =	sne.s32 s18, $0x600;
	_ =	sdelay $0x4  }
0x43: {  	v1 =	vand.u32 $0x7, v0;
	v2 =	vshll.u32 v0, $0x4  }
0x44: {  	vm2 =	veq.s32 v0, $0x80000000;
	v0 =	vmul.u32 $0xA0000, v1;
	v1 =	vand.u32 $0xFFF80, v2  }
0x45: {  	v1 =	vsel vm2, $0xFFFFFF80, v1  }
0x46: {  	v0 =	vsel vm2, $0xFFF60000, v0;
	v2 =	vand.u32 $0xFFFFFC00, v1  }
0x47: {  	v1 =	vand.u32 $0x380, v1;
	v0 =	vadd.s32 v0, v2  }
0x48: {  	v0 =	vor.u32 v1, v0  }
0x49: {  	v0 =	vshrl.u32 v0, $0x3;
	_ =	sdelay $0x3  }
.Ltmp3:
0x4a: {  	s19 =	sshra.s32 s18, $0x2;
	s17 =	sadd.s32 $0x800, s17;
	(pc) =	sbr.rel @p1 .LBB2_3-.Ltmp3, $4  }
0x4b: {  	[tilespmem:s17], [sflag:$0x1] =	stream.indirect_vreg.gather [hbm:s4], $0x80, v0, vm0, $0x38;
	[tilespmem:$0x19320] =	vst v63  }
0x4c: {  	s19 =	sadd.s32 s19, s16;
	s20 =	sadd.s32 $0x400, s17  }
0x4d: {  	[tilespmem:s20], [sflag:$0x1] =	stream.indirect_vreg.gather [hbm:s4], $0x80, v0, vm1, $0x38;
	[tilespmem:$0x19320] =	vst v63  }
0x4e: {  	s18 =	sadd.s32 $0x40, s18;
	v0 =	vld.msk [tilespmem:s19+$0x0 ss:$0x1], $0xffff  }
0x4f: {  	_ =	sdelay $0x3  }
0x50: {  	v1 =	vand.u32 $0x7, v0;
	v2 =	vshll.u32 v0, $0x4  }
0x51: {  	vm2 =	veq.s32 v0, $0x80000000;
	v61 =	vmul.u32 $0xA0000, v1;
	v62 =	vand.u32 $0xFFF80, v2  }
0x52: {  	v1 =	vsel vm2, $0xFFFFFF80, v62  }
0x53: {  	v0 =	vsel vm2, $0xFFF60000, v61;
	v63 =	vand.u32 $0xFFFFFC00, v1  }
0x54: {  	v1 =	vand.u32 $0x380, v1;
	v0 =	vadd.s32 v0, v63  }
0x55: {  	v0 =	vor.u32 v1, v0  }
0x56: {  	v0 =	vshrl.u32 v0, $0x3;
	_ =	sdelay $0x3  }
0x57: {  	s16 =	sadd.s32 $0x800, s17  }
0x58: {  	[tilespmem:s16], [sflag:$0x1] =	stream.indirect_vreg.gather [hbm:s4], $0x80, v0, vm0, $0x38;
	[tilespmem:$0x19320] =	vst v63  }
0x59: {  	s16 =	sadd.s32 $0x400, s16  }
0x5a: {  	[tilespmem:s16], [sflag:$0x1] =	stream.indirect_vreg.gather [hbm:s4], $0x80, v0, vm1, $0x38;
	[tilespmem:$0x19320] =	vst v63  }
0x5b: {  	s13 =	sshll.u32 s13, $0x4;
	_ =	swait.ge [sflag:s6], $0xC800  }
0x5c: {  	s13 =	sadd.s32 s13, s9;
	[sflag:s6] =	ssyncset.done $0x0  }
0x5d: {  	s17 =	sadd.s32 $0x0, s13;
	s16 =	simm.s32 $0x80;
	[sflag:s6] =	ssyncadd.s32 $0xFFFF3800  }
.LBB2_5:
0x5e: {  	[hbm:s17] =	stream.linear.scatter [tilespmem:s14], [sflag:$0x3], $0x400, $0x38;
	[tilespmem:$0x19320] =	vst v63  }
0x5f: {  	s17 =	smov.u32 s16;
	s14 =	smov.u32 s15;
	p1 =	sne.s32 s16, $0x1880  }
.Ltmp4:
0x60: {  	s16 =	sadd.s32 $0x80, s16;
	(pc) =	sbr.rel @p1 .LBB2_5-.Ltmp4, $2  }
0x61: {  	_ =	sdelay $0x2  }
0x62: {  	s15 =	sadd.s32 $0x400, s15;
	s17 =	sadd.s32 s17, s13  }
.Ltmp5:
0x63: {  	_ = 	snop;
	(pc) =	sbr.rel .LBB2_6-.Ltmp5, $1  }
0x64: {  	_ =	sdelay $0x3  }
.LBB2_8:
0x65: {  	_ =	sfence.sel $0x180000  }
0x66: {  	s1 =	simm.s32 $0x2;
	[bflag:$0x0] =	sbarrier.arrive $0xFFFF  }
0x67: {  	s30 =	simm.s32 $0x3;
	[sflag:s1] =	ssyncpa.u1 $0x1  }
0x68: {  	s31 =	simm.s32 $0x1;
	[sflag:s30] =	ssyncpa.u1 $0x1  }
0x69: {  	[sflag:s31] =	ssyncpa.u1 $0x1  }
0x6a: {  	p0 =	sne.s32 s0, $0x0;
	_ =	strace $0x9000004A  }
0x6b: {  	s0 =	sadd.s32 @!p0 $0x100000, s2;
	[bflag:$0x2] =	sbarrier.arrive $0xFFFF  }
0x6c: {  	[sflag:s0] =	ssyncadd.tile.s32 @!p0 $0x1;
	_ =	shalt  }
.Lfunc_end2:
_tile_overlayer_lowered:
.L_overlay_start_2:
0x6d: {  	(tag) =	ssettag $0x2  }
0x6e: {  	s0 =	rddreg [dreg:$0x0];
	s2 =	stileid.u32  }
0x6f: {  	s1 =	rddreg [dreg:$0x1];
	p0 =	sne.s32 s2, $0x0  }
0x70: {  	s3 =	rddreg [dreg:$0x2];
	[bflag:$0x3] =	sbarrier.arrive $0xFFFF;
	s2 =	simm.s32 @!p0 $0x1C01  }
0x71: {  	[timem:s3], [sflag:s2] =	dma.local @!p0 [hbm:s0], s1  }
0x72: {  	s0 =	simm.s32 @!p0 $0x1  }
0x73: {  	_ =	swait.ge @!p0 [sflag:s0], s1  }
0x74: {  	s1 =	ssub.s32 @!p0 $0x0, s1;
	[sflag:s0] =	ssyncset.done @!p0 $0x0  }
0x75: {  	[sflag:s0] =	ssyncadd.s32 @!p0 s1  }
0x76: {  	[bflag:$0x3] =	sbarrier.arrive $0xFFFF  }
0x77: {  	_ =	shalt  }

// kernel: gather_offload_async_start
scs
__scs_entry_jumppad:
0x0: {  	(pc) =	sbr.rel $0x88, $3  }
0x1: {  	(tag) =	ssettag $0x0;
	lr =	simm.s32 $0x1  }
0x2: {  	[smem:$0x3FA0] =	sst lr;
	_ =	strace $0xD0000000  }
0x3: {  	_ = 	snop  }
0x4: {  	_ = 	snop  }
0x5: {  	_ = 	snop  }
0x6: {  	_ = 	snop  }
0x7: {  	_ = 	snop  }
__scs_overlays_trampoline_lowered:
0x8: {  	[smem:$0x3FAF] =	sst s0  }
0x9: {  	[smem:$0x3FB0] =	sst s1  }
0xa: {  	[smem:$0x3FB1] =	sst s2  }
0xb: {  	[smem:$0x3FB2] =	sst s3  }
0xc: {  	[smem:$0x3FB3] =	sst s4  }
0xd: {  	[smem:$0x3FB4] =	sst s5  }
0xe: {  	[smem:$0x3FB5] =	sst s6  }
0xf: {  	[smem:$0x3FB6] =	sst s7  }
0x10: {  	[smem:$0x3FB7] =	sst s8  }
0x11: {  	[smem:$0x3FB8] =	sst s9;
	s0 =	simm.s32 @!p0 $0x0  }
0x12: {  	s1 =	sld [smem:$0x3F9E];
	s0 =	simm.s32 @p0 $0x1  }
0x13: {  	[smem:$0x3FB9] =	sst s0;
	s0 =	simm.s32 @!p1 $0x0  }
0x14: {  	s2 =	sld [smem:$0x3F9D];
	s0 =	simm.s32 @p1 $0x1  }
0x15: {  	[smem:$0x3FBA] =	sst s0;
	s0 =	simm.s32 @!p2 $0x0  }
0x16: {  	s3 =	sld [smem:$0x3FDB];
	s0 =	simm.s32 @p2 $0x1  }
0x17: {  	s4 =	simm.s32 $0x1BF5;
	[smem:$0x3FBC] =	sst s0  }
0x18: {  	s0 =	sld [smem:$0x3F9F];
	_ =	swait.ge [sflag:s4], $0x0  }
0x19: {  	s7 =	sld [smem:$0x3FA0]  }
0x1a: {  	s8 =	sadd.s32 $0xFFFFE003, lr  }
0x1b: {  	s9 =	sadd.s32 $0xFFFFFEF7, lr;
	s5 =	simm.s32 $0xFFFFFFFF;
	p2 =	slt.u32 s8, $0xFFFFF086  }
0x1c: {  	p1 =	slt.u32 s9, $0xF7A;
	s5 =	simm.s32 @!p2 $0x0  }
0x1d: {  	s5 =	simm.s32 @p1 $0x1;
	p0 =	seq.s32 s7, s2  }
0x1e: {  	s7 =	smul.u32 @!p0 $0xF7A, s2;
	p2 =	seq.s32 @!p0 s5, $0x0  }
0x1f: {  	s9 =	smul.u32 $0xF7A, s1;
	s8 =	simm.s32 @!p0 $0x1BF5;
	p2 =	por !p2, p0  }
0x20: {  	[sflag:s8] =	ssyncset.s32 @!p0 $0xFFFFF086;
	s6 =	sadd.s32 @!p0 s3, s7;
	s7 =	simm.s32 @!p0 $0x108  }
0x21: {  	s3 =	sadd.s32 s3, s9;
	s6 =	sadd.s32 @!p0 $0x88, s6;
	s7 =	simm.s32 @p2 $0x1082  }
0x22: {  	[simem:s7], [sflag:s8] =	dma.local @!p0 [hbm:s6], $0xF7A  }
0x23: {  	s9 =	sor.u32 $0xD0000000, s2;
	s6 =	simm.s32 $0x108;
	_ =	swait.ge @!p0 [sflag:s8], $0x0  }
0x24: {  	s3 =	sadd.s32 $0x88, s3;
	s6 =	simm.s32 @!p1 $0x1082;
	[sflag:s4] =	ssyncset.s32 $0xFFFFF086  }
0x25: {  	[simem:s6], [sflag:s4] =	dma.local [hbm:s3], $0xF7A  }
0x26: {  	[smem:$0x3FA0] =	sst s1;
	(tag) =	ssettag s2;
	_ =	strace s9  }
0x27: {  	s1 =	sld [smem:$0x3FB0]  }
0x28: {  	s2 =	sld [smem:$0x3FB1]  }
0x29: {  	s4 =	sld [smem:$0x3FB3]  }
0x2a: {  	p0 =	seq.s32 s5, $0x0;
	s5 =	sld [smem:$0x3FB4]  }
0x2b: {  	s6 =	sld [smem:$0x3FB5]  }
0x2c: {  	s7 =	sld [smem:$0x3FB6]  }
0x2d: {  	s3 =	simm.s32 $0x108;
	s8 =	sld [smem:$0x3FB7]  }
0x2e: {  	s3 =	simm.s32 @!p0 $0x1082;
	s9 =	sld [smem:$0x3FB8]  }
0x2f: {  	lr =	sadd.s32 s0, s3;
	s0 =	sld [smem:$0x3FAF]  }
0x30: {  	s3 =	sld [smem:$0x3FB2]  }
0x31: {  	[smem:$0x3FBB] =	sst s10  }
0x32: {  	s10 =	sld [smem:$0x3FB9];
	_ =	sdelay $0x3  }
0x33: {  	p0 =	seq.s32 s10, $0x1;
	s10 =	sld [smem:$0x3FBB];
	_ =	sdelay $0x3  }
0x34: {  	[smem:$0x3FBB] =	sst s10  }
0x35: {  	s10 =	sld [smem:$0x3FBA];
	_ =	sdelay $0x3  }
0x36: {  	p1 =	seq.s32 s10, $0x1;
	s10 =	sld [smem:$0x3FBB];
	_ =	sdelay $0x3  }
0x37: {  	[smem:$0x3FBB] =	sst s10  }
0x38: {  	s10 =	sld [smem:$0x3FBC]  }
0x39: {  	_ = 	snop;
	(pc) =	sbr.ind lr, $3  }
0x3a: {  	_ = 	snop  }
0x3b: {  	_ = 	snop  }
0x3c: {  	p2 =	seq.s32 s10, $0x1;
	s10 =	sld [smem:$0x3FBB]  }
0x3d: {  	_ =	shalt  }
0x3e: {  	_ =	shalt  }
0x3f: {  	_ =	shalt  }
0x40: {  	_ =	shalt  }
0x41: {  	_ =	shalt  }
0x42: {  	_ =	shalt  }
0x43: {  	_ =	shalt  }
0x44: {  	_ =	shalt  }
0x45: {  	_ =	shalt  }
0x46: {  	_ =	shalt  }
0x47: {  	_ =	shalt  }
0x48: {  	_ =	shalt  }
0x49: {  	_ =	shalt  }
0x4a: {  	_ =	shalt  }
0x4b: {  	_ =	shalt  }
0x4c: {  	_ =	shalt  }
0x4d: {  	_ =	shalt  }
0x4e: {  	_ =	shalt  }
0x4f: {  	_ =	shalt  }
0x50: {  	_ =	shalt  }
0x51: {  	_ =	shalt  }
0x52: {  	_ =	shalt  }
0x53: {  	_ =	shalt  }
0x54: {  	_ =	shalt  }
0x55: {  	_ =	shalt  }
0x56: {  	_ =	shalt  }
0x57: {  	_ =	shalt  }
0x58: {  	_ =	shalt  }
0x59: {  	_ =	shalt  }
0x5a: {  	_ =	shalt  }
0x5b: {  	_ =	shalt  }
0x5c: {  	_ =	shalt  }
0x5d: {  	_ =	shalt  }
0x5e: {  	_ =	shalt  }
0x5f: {  	_ =	shalt  }
0x60: {  	_ =	shalt  }
0x61: {  	_ =	shalt  }
0x62: {  	_ =	shalt  }
0x63: {  	_ =	shalt  }
0x64: {  	_ =	shalt  }
0x65: {  	_ =	shalt  }
0x66: {  	_ =	shalt  }
0x67: {  	_ =	shalt  }
0x68: {  	_ =	shalt  }
0x69: {  	_ =	shalt  }
0x6a: {  	_ =	shalt  }
0x6b: {  	_ =	shalt  }
0x6c: {  	_ =	shalt  }
0x6d: {  	_ =	shalt  }
0x6e: {  	_ =	shalt  }
0x6f: {  	_ =	shalt  }
0x70: {  	_ =	shalt  }
0x71: {  	_ =	shalt  }
0x72: {  	_ =	shalt  }
0x73: {  	_ =	shalt  }
0x74: {  	_ =	shalt  }
0x75: {  	_ =	shalt  }
0x76: {  	_ =	shalt  }
0x77: {  	_ =	shalt  }
0x78: {  	_ =	shalt  }
0x79: {  	_ =	shalt  }
0x7a: {  	_ =	shalt  }
0x7b: {  	_ =	shalt  }
0x7c: {  	_ =	shalt  }
0x7d: {  	_ =	shalt  }
0x7e: {  	_ =	shalt  }
0x7f: {  	_ =	shalt  }
0x80: {  	_ =	shalt  }
0x81: {  	_ =	shalt  }
0x82: {  	_ =	shalt  }
0x83: {  	_ =	shalt  }
0x84: {  	_ =	shalt  }
0x85: {  	_ =	shalt  }
0x86: {  	_ =	shalt  }
0x87: {  	_ =	shalt  }
.Lfunc_end0:
.L_simem_size_0:
called_computation_lowered:
.L_overlay_start_0:
0x88: {  	s2 =	sld [smem:$0x3FD9]  }
0x89: {  	s3 =	sld [smem:$0x3FFE];
	_ =	sdelay $0x1  }
0x8a: {  	s1 =	srdreg.scid  }
0x8b: {  	s0 =	sand.u32 $0x1, s1  }
0x8c: {  	s17 =	sshll.u32 s0, $0xA;
	s2 =	sadd.s32 s3, s2  }
0x8d: {  	s2 =	sadd.s32 s2, s17  }
0x8e: {  	[smem:$0x3FC7] =	sst s2  }
0x8f: {  	_ = 	snop  }
0x90: {  	s2 =	sld [smem:$0x3FD0];
	(tm) =	ssettm $0x1  }
0x91: {  	s18 =	sld [smem:$0x3FFB];
	_ =	sdelay $0x3  }
0x92: {  	_ =	strace s18  }
0x93: {  	s3 =	sld [smem:$0x3FFC];
	_ =	sdelay $0x3  }
0x94: {  	_ =	strace s3  }
0x95: {  	s3 =	sld [smem:$0x3FFD];
	_ =	sdelay $0x3  }
0x96: {  	_ =	strace s3  }
0x97: {  	_ =	strace $0x8FFFFFFF  }
0x98: {  	s19 =	sld [smem:$0x3FDB];
	_ =	sdelay $0x1  }
0x99: {  	s4 =	simm.s32 $_scs_section_size  }
0x9a: {  	s5 =	simm.s32 $_size__tile_overlayer_lowered;
	s6 =	simm.s32 $_tile_overlayer_lowered  }
0x9b: {  	s22 =	simm.s32 $0x1BFF;
	s21 =	sshll.u32 s6, $0x1;
	s3 =	sadd.s32 s4, s19  }
0x9c: {  	s7 =	simm.s32 $0x0;
	s20 =	sshll.u32 s5, $0x1;
	s5 =	sadd.s32 s21, s3  }
0x9d: {  	[timem:s7], [sflag:s22] =	dma.local [hbm:s5], s20  }
0x9e: {  	_ =	swait.ge [sflag:s22], s20  }
0x9f: {  	s4 =	ssub.s32 $0x0, s20;
	[sflag:s22] =	ssyncset.done $0x0  }
0xa0: {  	[sflag:s22] =	ssyncadd.s32 s4;
	_ =	sdelay $0x1  }
0xa1: {  	s23 =	simm.s32 $0x1B8B  }
0xa2: {  	_ =	swait.ge [sflag:s23], $0x1  }
0xa3: {  	[sflag:s23] =	ssyncset.done $0x0  }
0xa4: {  	s25 =	simm.s32 $0x1B8E;
	s24 =	sld [smem:$0x3FFE];
	[sflag:s23] =	ssyncadd.s32 $0xFFFFFFFF  }
0xa5: {  	s26 =	simm.s32 $execute0_lowered;
	[smem:$0x3FD2] =	sst s25  }
0xa6: {  	s5 =	sshll.u32 s26, $0x1;
	_ =	strace $0x80000046;
	[dreg:$0x1] =	wrdreg $0xFFFFFFFF  }
0xa7: {  	s28 =	simm.s32 $_size_execute0_lowered;
	s3 =	sadd.s32 s3, s5;
	[dreg:$0x0] =	wrdreg $0x0  }
0xa8: {  	s5 =	sshll.u32 s28, $0x1;
	[dreg:$0x2] =	wrdreg s3  }
0xa9: {  	[dreg:$0x3] =	wrdreg s5  }
0xaa: {  	[dreg:$0x4] =	wrdreg $0xC0  }
0xab: {  	_ =	task [dreg:s7], $0x5FFFF  }
0xac: {  	[dreg:$0x1] =	wrdreg $0xFFFFFFFF  }
0xad: {  	[dreg:$0x0] =	wrdreg $0x60  }
0xae: {  	[dreg:$0x2] =	wrdreg s24  }
0xaf: {  	[dreg:$0x3] =	wrdreg s2  }
0xb0: {  	[dreg:$0x4] =	wrdreg $0x9  }
0xb1: {  	_ =	task.clear_ibuf [dreg:s7], $0x5FFFF;
	_ =	strace $0x90000046  }
0xb2: {  	s29 =	simm.s32 $0x9;
	_ =	strace $0x80000048  }
0xb3: {  	_ =	swait.ge [sflag:s29], $0x1  }
0xb4: {  	[sflag:s29] =	ssyncadd.s32 $0xFFFFFFFF  }
0xb5: {  	_ =	strace $0x90000048  }
0xb6: {  	_ =	sfence  }
0xb7: {  	s30 =	sld [smem:$0x0];
	_ =	sdelay $0x2  }
0xb8: {  	s31 =	sshll.u32 s1, $0xD;
	s1 =	sshrl.u32 s1, $0x2  }
0xb9: {  	s3 =	sand.u32 $0x4000, s31;
	s1 =	sadd.s32 s1, s30  }
0xba: {  	s0 =	sor.u32 s3, s0;
	s1 =	sshll.u32 s1, $0x11  }
0xbb: {  	s0 =	sor.u32 s1, s0  }
0xbc: {  	s0 =	sadd.s32 $0x8F2B, s0  }
0xbd: {  	[sflag:s0] =	ssyncadd.remote.s32 $0x1  }
0xbe: {  	_ =	sfence.sel $0xFFFF  }
0xbf: {  	[dreg:$0x0] =	wrdreg $0xFFFFFFFF;
	(pc) =	sbr.abs _section_cstart, $3  }
0xc0: {  	[dreg:$0x1] =	wrdreg $0xFFFFFFFF  }
0xc1: {  	_ =	task.clear_ibuf [dreg:s7], $0x2FFFF;
	_ =	strace $0x9FFFFFFF  }
0xc2: {  	(tm) =	ssettm $0x7FFFFFFF  }
0xc3: {  	_ =	shalt  }
tec
execute0_lowered:
.L_overlay_start_1:
0x0: {  	(tag) =	ssettag $0x1  }
0x1: {  	s2 =	rddreg [dreg:$0x0];
	s0 =	srdreg.scid  }
0x2: {  	s3 =	rddreg [dreg:$0x1];
	s1 =	stileid.u32;
	s6 =	simm.s32 $0x2  }
0x3: {  	s4 =	sshll.u32 s0, $0x4;
	s0 =	rddreg [dreg:$0x2];
	_ =	strace $0x80000047  }
.Ltmp0:
0x4: {  	s5 =	sand.u32 $0x10, s4;
	s4 =	simm.s32 $0x1;
	(pc) =	sbr.rel .LBB2_1-.Ltmp0, $4  }
0x5: {  	s9 =	simm.s32 $0x3;
	s5 =	sor.u32 s1, s5;
	[sflag:s4] =	ssyncpa.u1 $0x0  }
0x6: {  	s11 =	simm.s32 $0x0;
	s5 =	smul.u32 $0x500, s5;
	[sflag:s6] =	ssyncpa.u1 $0x0  }
0x7: {  	p0 =	por $0x0, $0x0;
	s7 =	sadd.s32 $0xA4000, s2;
	[sflag:s9] =	ssyncpa.u1 $0x0  }
0x8: {  	vm0 =	vmmov $0xff;
	vm1 =	vcmask $0x3F20;
	s9 =	simm.s32 $0x0;
	s8 =	sadd.s32 $0x500, s5;
	s10 =	smov.u32 s5  }
.LBB2_6:
0x9: {  	[hbm:s15] =	stream.linear.scatter [tilespmem:s12], [sflag:$0x3], $0x400, $0x38;
	[tilespmem:$0x10200] =	vst v63  }
.LBB2_7:
0xa: {  	p1 =	slt.u32 s9, $0x2;
	s11 =	sadd.s32 $0x100, s10  }
0xb: {  	s13 =	smov.u32 s5;
	s9 =	sadd.s32 $0x1, s9;
	p2 =	slt.s32 s11, s8  }
0xc: {  	s13 =	smov.u32 @p2 s11;
	p2 =	sne.s32 s9, $0x7  }
.Ltmp1:
0xd: {  	_ = 	snop;
	(pc) =	sbr.rel @!p2 .LBB2_8-.Ltmp1, $4  }
0xe: {  	s12 =	simm.s32 @!p1 $0x3  }
0xf: {  	_ =	swait.ge @!p1 [sflag:s12], $0x8000  }
0x10: {  	p0 =	por !p0, !p0;
	[sflag:s12] =	ssyncset.done @!p1 $0x0  }
0x11: {  	s11 =	smov.u32 s10;
	s10 =	smov.u32 s13;
	[sflag:s12] =	ssyncadd.s32 @!p1 $0xFFFF8000  }
.LBB2_1:
0x12: {  	p1 =	sgt.u32 s9, $0x4  }
0x13: {  	s12 =	sxor.u32 @!p1 $0xFFFFFFFF, s9  }
0x14: {  	s31 =	sadd.s32 $0xFFFFFFFF, s9;
	s13 =	sshrl.u32 @!p1 s10, $0x3;
	s12 =	sshll.u32 @!p1 s12, $0x8  }
0x15: {  	s14 =	sand.u32 @!p1 $0x7, s10;
	s13 =	sadd.s32 @!p1 s3, s13;
	s12 =	sand.u32 @!p1 $0x100, s12  }
0x16: {  	[tilespmem:s12], [sflag:$0x2] =	stream.linear.gather @!p1 [hbm4b:s13+s14], $0x100, $0x38;
	[tilespmem:$0x10200] =	vst v63  }
0x17: {  	p1 =	sgt.u32 s31, $0x4  }
.Ltmp2:
0x18: {  	_ = 	snop;
	(pc) =	sbr.rel @p1 .LBB2_7-.Ltmp2, $1  }
0x19: {  	_ =	sdelay $0x3  }
0x1a: {  	s12 =	simm.s32 $0x1  }
0x1b: {  	_ =	swait.ge [sflag:s6], $0x100;
	s12 =	simm.s32 @!p0 $0x0  }
0x1c: {  	[sflag:s6] =	ssyncset.done $0x0;
	s14 =	sshll.u32 s12, $0x8  }
0x1d: {  	[sflag:s6] =	ssyncadd.s32 $0xFFFFFF00;
	s13 =	sadd.s32 $0x0, s14  }
0x1e: {  	v0 =	vld.msk [tilespmem:s13+$0x0 ss:$0x1], $0xffff;
	_ =	sdelay $0x4  }
0x1f: {  	v1 =	vand.u32 $0x7, v0;
	v2 =	vshll.u32 v0, $0x4  }
0x20: {  	vm2 =	veq.s32 v0, $0x80000000;
	v0 =	vmul.u32 $0xA0000, v1;
	v1 =	vand.u32 $0xFFF80, v2  }
0x21: {  	v1 =	vsel vm2, $0xFFFFFF80, v1  }
0x22: {  	v0 =	vsel vm2, $0xFFF60000, v0;
	v2 =	vand.u32 $0xFFFFFC00, v1  }
0x23: {  	v1 =	vand.u32 $0x380, v1;
	v0 =	vadd.s32 v0, v2  }
0x24: {  	v0 =	vor.u32 v1, v0  }
0x25: {  	v0 =	vshrl.u32 v0, $0x3;
	_ =	sdelay $0x2  }
0x26: {  	s12 =	sshll.u32 s12, $0xF  }
0x27: {  	s12 =	sor.u32 $0x200, s12  }
0x28: {  	[tilespmem:s12], [sflag:$0x1] =	stream.indirect_vreg.gather [hbm:s2], $0x80, v0, vm0, $0x38;
	[tilespmem:$0x10200] =	vst v63  }
0x29: {  	s15 =	sadd.s32 $0x10, s14;
	s13 =	sadd.s32 $0x400, s12  }
0x2a: {  	[tilespmem:s13], [sflag:$0x1] =	stream.indirect_vreg.gather [hbm:s2], $0x80, v0, vm1, $0x38;
	[tilespmem:$0x10200] =	vst v63  }
0x2b: {  	s16 =	simm.s32 $0x80;
	v0 =	vld.msk [tilespmem:s15+$0x0 ss:$0x1], $0xffff;
	s15 =	smov.u32 s12  }
.LBB2_3:
0x2c: {  	p1 =	sne.s32 s16, $0x3C0;
	_ =	sdelay $0x4  }
0x2d: {  	v1 =	vand.u32 $0x7, v0;
	v2 =	vshll.u32 v0, $0x4  }
0x2e: {  	vm2 =	veq.s32 v0, $0x80000000;
	v0 =	vmul.u32 $0xA0000, v1;
	v1 =	vand.u32 $0xFFF80, v2  }
0x2f: {  	v1 =	vsel vm2, $0xFFFFFF80, v1  }
0x30: {  	v0 =	vsel vm2, $0xFFF60000, v0;
	v2 =	vand.u32 $0xFFFFFC00, v1  }
0x31: {  	v1 =	vand.u32 $0x380, v1;
	v0 =	vadd.s32 v0, v2  }
0x32: {  	v0 =	vor.u32 v1, v0  }
0x33: {  	v0 =	vshrl.u32 v0, $0x3;
	_ =	sdelay $0x3  }
.Ltmp3:
0x34: {  	s17 =	sshra.s32 s16, $0x2;
	s15 =	sadd.s32 $0x800, s15;
	(pc) =	sbr.rel @p1 .LBB2_3-.Ltmp3, $4  }
0x35: {  	[tilespmem:s15], [sflag:$0x1] =	stream.indirect_vreg.gather [hbm:s2], $0x80, v0, vm0, $0x38;
	[tilespmem:$0x10200] =	vst v63  }
0x36: {  	s17 =	sadd.s32 s17, s14;
	s18 =	sadd.s32 $0x400, s15  }
0x37: {  	[tilespmem:s18], [sflag:$0x1] =	stream.indirect_vreg.gather [hbm:s2], $0x80, v0, vm1, $0x38;
	[tilespmem:$0x10200] =	vst v63  }
0x38: {  	s16 =	sadd.s32 $0x40, s16;
	v0 =	vld.msk [tilespmem:s17+$0x0 ss:$0x1], $0xffff  }
0x39: {  	_ =	sdelay $0x3  }
0x3a: {  	v1 =	vand.u32 $0x7, v0;
	v2 =	vshll.u32 v0, $0x4  }
0x3b: {  	vm2 =	veq.s32 v0, $0x80000000;
	v61 =	vmul.u32 $0xA0000, v1;
	v62 =	vand.u32 $0xFFF80, v2  }
0x3c: {  	v1 =	vsel vm2, $0xFFFFFF80, v62  }
0x3d: {  	v0 =	vsel vm2, $0xFFF60000, v61;
	v63 =	vand.u32 $0xFFFFFC00, v1  }
0x3e: {  	v1 =	vand.u32 $0x380, v1;
	v0 =	vadd.s32 v0, v63  }
0x3f: {  	v0 =	vor.u32 v1, v0  }
0x40: {  	v0 =	vshrl.u32 v0, $0x3;
	_ =	sdelay $0x3  }
0x41: {  	s14 =	sadd.s32 $0x800, s15  }
0x42: {  	[tilespmem:s14], [sflag:$0x1] =	stream.indirect_vreg.gather [hbm:s2], $0x80, v0, vm0, $0x38;
	[tilespmem:$0x10200] =	vst v63  }
0x43: {  	s14 =	sadd.s32 $0x400, s14  }
0x44: {  	[tilespmem:s14], [sflag:$0x1] =	stream.indirect_vreg.gather [hbm:s2], $0x80, v0, vm1, $0x38;
	[tilespmem:$0x10200] =	vst v63  }
0x45: {  	s11 =	sshll.u32 s11, $0x4;
	_ =	swait.ge [sflag:s4], $0x8000  }
0x46: {  	s11 =	sadd.s32 s11, s7;
	[sflag:s4] =	ssyncset.done $0x0  }
0x47: {  	s15 =	sadd.s32 $0x0, s11;
	s14 =	simm.s32 $0x80;
	[sflag:s4] =	ssyncadd.s32 $0xFFFF8000  }
.LBB2_5:
0x48: {  	[hbm:s15] =	stream.linear.scatter [tilespmem:s12], [sflag:$0x3], $0x400, $0x38;
	[tilespmem:$0x10200] =	vst v63  }
0x49: {  	s15 =	smov.u32 s14;
	s12 =	smov.u32 s13;
	p1 =	sne.s32 s14, $0xF80  }
.Ltmp4:
0x4a: {  	s14 =	sadd.s32 $0x80, s14;
	(pc) =	sbr.rel @p1 .LBB2_5-.Ltmp4, $2  }
0x4b: {  	_ =	sdelay $0x2  }
0x4c: {  	s13 =	sadd.s32 $0x400, s13;
	s15 =	sadd.s32 s15, s11  }
.Ltmp5:
0x4d: {  	_ = 	snop;
	(pc) =	sbr.rel .LBB2_6-.Ltmp5, $1  }
0x4e: {  	_ =	sdelay $0x3  }
.LBB2_8:
0x4f: {  	_ =	sfence.sel $0x180000  }
0x50: {  	s2 =	simm.s32 $0x2;
	[bflag:$0x0] =	sbarrier.arrive $0xFFFF  }
0x51: {  	s30 =	simm.s32 $0x3;
	[sflag:s2] =	ssyncpa.u1 $0x1  }
0x52: {  	s31 =	simm.s32 $0x1;
	[sflag:s30] =	ssyncpa.u1 $0x1  }
0x53: {  	[sflag:s31] =	ssyncpa.u1 $0x1  }
0x54: {  	p0 =	sne.s32 s1, $0x0;
	_ =	strace $0x90000047  }
0x55: {  	s0 =	sadd.s32 @!p0 $0x100000, s0;
	[bflag:$0x2] =	sbarrier.arrive $0xFFFF  }
0x56: {  	[sflag:s0] =	ssyncadd.tile.s32 @!p0 $0x1;
	_ =	shalt  }
.Lfunc_end2:
_tile_overlayer_lowered:
.L_overlay_start_2:
0x57: {  	(tag) =	ssettag $0x2  }
0x58: {  	s0 =	rddreg [dreg:$0x0];
	s2 =	stileid.u32  }
0x59: {  	s1 =	rddreg [dreg:$0x1];
	p0 =	sne.s32 s2, $0x0  }
0x5a: {  	s3 =	rddreg [dreg:$0x2];
	[bflag:$0x3] =	sbarrier.arrive $0xFFFF;
	s2 =	simm.s32 @!p0 $0x1C01  }
0x5b: {  	[timem:s3], [sflag:s2] =	dma.local @!p0 [hbm:s0], s1  }
0x5c: {  	s0 =	simm.s32 @!p0 $0x1  }
0x5d: {  	_ =	swait.ge @!p0 [sflag:s0], s1  }
0x5e: {  	s1 =	ssub.s32 @!p0 $0x0, s1;
	[sflag:s0] =	ssyncset.done @!p0 $0x0  }
0x5f: {  	[sflag:s0] =	ssyncadd.s32 @!p0 s1  }
0x60: {  	[bflag:$0x3] =	sbarrier.arrive $0xFFFF  }
0x61: {  	_ =	shalt  }

</sc_bundles>
